<compile_context>
chip_gen: v7x
topology: tpu7x:2x2x1
jax: 0.10.2.dev20260603
libtpu: 0.0.44.dev20260713+nightly
codegen_flags: <defaults>
</compile_context>

<pallas_src>
import jax
import jax.numpy as jnp
from jax import lax
from jax.experimental import pallas as pl
from jax.experimental.pallas import tpu as pltpu
from jax.experimental.pallas import tpu_sc as plsc

_NC, _NS = 2, 16
_NW = _NC * _NS
_CHUNK_ROWS = 16
_NBUF = 4
_NBUF_SH = 3


def _sc_copy_body(emb_hbm, out_hbm, bufs, shbufs, sems_in, sems_out,
                  sems_shin, sems_shout):
    seq, dim = out_hbm.shape
    rows_per_w = seq // _NW
    n_chunks = rows_per_w // _CHUNK_ROWS
    wid = lax.axis_index("s") * _NC + lax.axis_index("c")
    sid = lax.axis_index("s")
    base = wid * rows_per_w

    in_copies = [None] * n_chunks
    out_copies = [None] * n_chunks

    def start_in(i):
        off = base + i * _CHUNK_ROWS
        if i % 2 == 0:
            b = (i // 2) % _NBUF
            c = pltpu.make_async_copy(
                emb_hbm.at[pl.ds(off, _CHUNK_ROWS)], bufs.at[b],
                sems_in.at[b])
        else:
            b = (i // 2) % _NBUF_SH
            c = pltpu.make_async_copy(
                emb_hbm.at[pl.ds(off, _CHUNK_ROWS)], shbufs.at[sid, b],
                sems_shin.at[b])
        c.start()
        in_copies[i] = c

    def start_out(i):
        off = base + i * _CHUNK_ROWS
        if i % 2 == 0:
            b = (i // 2) % _NBUF
            c = pltpu.make_async_copy(
                bufs.at[b], out_hbm.at[pl.ds(off, _CHUNK_ROWS)],
                sems_out.at[b])
        else:
            b = (i // 2) % _NBUF_SH
            c = pltpu.make_async_copy(
                shbufs.at[sid, b], out_hbm.at[pl.ds(off, _CHUNK_ROWS)],
                sems_shout.at[b])
        c.start()
        out_copies[i] = c

    waited = [False] * n_chunks
    for i in range(n_chunks + 1):
        if i < n_chunks:
            j = i - 2 * (_NBUF if i % 2 == 0 else _NBUF_SH)
            if j >= 0:
                out_copies[j].wait()
                waited[j] = True
            start_in(i)
        if i >= 1:
            in_copies[i - 1].wait()
            start_out(i - 1)
    for i in range(n_chunks):
        if not waited[i]:
            out_copies[i].wait()


def kernel(x, emb):
    seq, dim = x.shape[1], emb.shape[1]
    mesh = plsc.VectorSubcoreMesh(core_axis_name="c", subcore_axis_name="s")
    k = pl.kernel(
        _sc_copy_body,
        out_type=jax.ShapeDtypeStruct((seq, dim), emb.dtype),
        mesh=mesh,
        scratch_types=[
            pltpu.VMEM((_NBUF, _CHUNK_ROWS, dim), emb.dtype),
            pltpu.VMEM_SHARED((_NS, _NBUF_SH, _CHUNK_ROWS, dim), emb.dtype),
            pltpu.SemaphoreType.DMA((_NBUF,)),
            pltpu.SemaphoreType.DMA((_NBUF,)),
            pltpu.SemaphoreType.DMA((_NBUF_SH,)),
            pltpu.SemaphoreType.DMA((_NBUF_SH,)),
        ],
    )
    return k(emb)

# --- scband reference (transcript-rebuilt; emitter-appended) ---
"""Pipeline reference for scband-absolute-positional-embedding-19911468384979 (READ-ONLY COPY).

The authoritative reference and input builder live on the scoring server;
editing this copy changes nothing except your own understanding.
"""

import jax, jax.numpy as jnp
import numpy as np

DIM = 1024
MAX_SEQ_LEN = 8192

def setup_inputs(seed: int = 0) -> dict:
    key = jax.random.key(seed)
    k1, k2 = jax.random.split(key)
    x = jax.random.normal(k1, (4, 8192, DIM), dtype=jnp.float32)
    # nn.Embedding weight: [max_seq_len, dim], default init N(0,1)
    emb = jax.random.normal(k2, (MAX_SEQ_LEN, DIM), dtype=jnp.float32)
    return {"x": x, "emb": emb}

def reference(x, emb):
    t = jnp.arange(x.shape[1])
    return jnp.take(emb, t, axis=0)

if __name__ == "__main__":
    import jax
    _d = setup_inputs()
    print(jax.jit(kernel)(*tuple(_d.values())))

</pallas_src>

<mosaic_0001>
#map = affine_map<(d0, d1) -> (0, 0)>
module attributes {stable_mosaic.version = 14 : i64} {
  func.func @_sc_copy_body(%arg0: i32, %arg1: i32, %arg2: memref<8192x1024xf32, #tpu.memory_space<hbm>>, %arg3: memref<8192x1024xf32, #tpu.memory_space<hbm>>, %arg4: memref<4x16x1024xf32, #tpu.memory_space<vmem>>, %arg5: memref<16x3x16x1024xf32, #tpu.memory_space<vmem_shared>>, %arg6: memref<4x!tpu.dma_semaphore, #tpu.memory_space<semaphore_mem>>, %arg7: memref<4x!tpu.dma_semaphore, #tpu.memory_space<semaphore_mem>>, %arg8: memref<3x!tpu.dma_semaphore, #tpu.memory_space<semaphore_mem>>, %arg9: memref<3x!tpu.dma_semaphore, #tpu.memory_space<semaphore_mem>>) attributes {dimension_semantics = [#tpu.dimension_semantics<core_parallel>, #tpu.dimension_semantics<subcore_parallel>], iteration_bounds = array<i64: 2, 16>, scalar_prefetch = 0 : i64, scratch_operands = 6 : i64, tpu.core_type = #tpu.core_type<sc_vector_subcore>, window_params = [{transform_indices = #map}, {transform_indices = #map}]} {
    %mul3A = arith.constant 2 : i32
    %mul3A_0 = arith.muli %arg1, %mul3A : i32
    %add3A = arith.addi %mul3A_0, %arg0 : i32
    %mul3A_1 = arith.constant 256 : i32
    %mul3A_2 = arith.muli %add3A, %mul3A_1 : i32
    %add3A_3 = arith.constant 0 : i32
    %add3A_4 = arith.addi %mul3A_2, %add3A_3 : i32
    %dma_start3A = arith.constant 0 : i32
    %dma_start3A_5 = arith.constant 0 : i32
    %dma_start3A_6 = arith.constant 0 : i32
    %dma_start3A_7 = arith.constant 0 : i32
    %dma_start3A_8 = tpu.memref_slice %arg4[%dma_start3A, %dma_start3A_6, %dma_start3A_7] : memref<4x16x1024xf32, #tpu.memory_space<vmem>> -> memref<1x16x1024xf32, #tpu.memory_space<vmem>>
    %dma_start3A_9 = tpu.memref_squeeze %dma_start3A_8 : memref<1x16x1024xf32, #tpu.memory_space<vmem>> -> memref<16x1024xf32, #tpu.memory_space<vmem>>
    %dma_start3A_10 = arith.constant 0 : i32
    %dma_start3A_11 = tpu.memref_slice %arg2[%add3A_4, %dma_start3A_10] : memref<8192x1024xf32, #tpu.memory_space<hbm>> -> memref<16x1024xf32, #tpu.memory_space<hbm>>
    %dma_start3A_12 = tpu.memref_slice %arg6[%dma_start3A_5] : memref<4x!tpu.dma_semaphore, #tpu.memory_space<semaphore_mem>> -> memref<1x!tpu.dma_semaphore, #tpu.memory_space<semaphore_mem>>
    %dma_start3A_13 = tpu.memref_squeeze %dma_start3A_12 : memref<1x!tpu.dma_semaphore, #tpu.memory_space<semaphore_mem>> -> memref<!tpu.dma_semaphore, #tpu.memory_space<semaphore_mem>>
    %dma_start3A_14 = arith.constant 0 : i32
    %dma_start3A_15 = arith.constant 0 : i32
    %dma_start3A_16 = tpu.memref_slice %arg4[%dma_start3A, %dma_start3A_14, %dma_start3A_15] : memref<4x16x1024xf32, #tpu.memory_space<vmem>> -> memref<1x16x1024xf32, #tpu.memory_space<vmem>>
    %dma_start3A_17 = tpu.memref_squeeze %dma_start3A_16 : memref<1x16x1024xf32, #tpu.memory_space<vmem>> -> memref<16x1024xf32, #tpu.memory_space<vmem>>
    %dma_start3A_18 = arith.constant 0 : i32
    %dma_start3A_19 = tpu.memref_slice %arg2[%add3A_4, %dma_start3A_18] : memref<8192x1024xf32, #tpu.memory_space<hbm>> -> memref<16x1024xf32, #tpu.memory_space<hbm>>
    tpu.enqueue_dma source(%dma_start3A_19 : memref<16x1024xf32, #tpu.memory_space<hbm>>) target(%dma_start3A_17 : memref<16x1024xf32, #tpu.memory_space<vmem>>) target_semaphore(%dma_start3A_13 : memref<!tpu.dma_semaphore, #tpu.memory_space<semaphore_mem>>)
    %add3A_20 = arith.constant 16 : i32
    %add3A_21 = arith.addi %mul3A_2, %add3A_20 : i32
    %dma_start3A_22 = arith.constant 0 : i32
    %dma_start3A_23 = arith.constant 0 : i32
    %dma_start3A_24 = tpu.memref_slice %arg8[%dma_start3A_23] : memref<3x!tpu.dma_semaphore, #tpu.memory_space<semaphore_mem>> -> memref<1x!tpu.dma_semaphore, #tpu.memory_space<semaphore_mem>>
    %dma_start3A_25 = tpu.memref_squeeze %dma_start3A_24 : memref<1x!tpu.dma_semaphore, #tpu.memory_space<semaphore_mem>> -> memref<!tpu.dma_semaphore, #tpu.memory_space<semaphore_mem>>
    %dma_start3A_26 = arith.constant 0 : i32
    %dma_start3A_27 = arith.constant 0 : i32
    %dma_start3A_28 = tpu.memref_slice %arg5[%arg1, %dma_start3A_22, %dma_start3A_26, %dma_start3A_27] : memref<16x3x16x1024xf32, #tpu.memory_space<vmem_shared>> -> memref<1x1x16x1024xf32, #tpu.memory_space<vmem_shared>>
    %dma_start3A_29 = tpu.memref_squeeze %dma_start3A_28 : memref<1x1x16x1024xf32, #tpu.memory_space<vmem_shared>> -> memref<16x1024xf32, #tpu.memory_space<vmem_shared>>
    %dma_start3A_30 = arith.constant 0 : i32
    %dma_start3A_31 = tpu.memref_slice %arg2[%add3A_21, %dma_start3A_30] : memref<8192x1024xf32, #tpu.memory_space<hbm>> -> memref<16x1024xf32, #tpu.memory_space<hbm>>
    tpu.enqueue_dma source(%dma_start3A_31 : memref<16x1024xf32, #tpu.memory_space<hbm>>) target(%dma_start3A_29 : memref<16x1024xf32, #tpu.memory_space<vmem_shared>>) target_semaphore(%dma_start3A_25 : memref<!tpu.dma_semaphore, #tpu.memory_space<semaphore_mem>>)
    %dma_wait3A = arith.constant 0 : i32
    %dma_wait3A_32 = arith.constant 0 : i32
    %dma_wait3A_33 = arith.constant 0 : i32
    %dma_wait3A_34 = arith.constant 0 : i32
    %dma_wait3A_35 = tpu.memref_slice %arg4[%dma_wait3A, %dma_wait3A_33, %dma_wait3A_34] : memref<4x16x1024xf32, #tpu.memory_space<vmem>> -> memref<1x16x1024xf32, #tpu.memory_space<vmem>>
    %dma_wait3A_36 = tpu.memref_squeeze %dma_wait3A_35 : memref<1x16x1024xf32, #tpu.memory_space<vmem>> -> memref<16x1024xf32, #tpu.memory_space<vmem>>
    %dma_wait3A_37 = arith.constant 0 : i32
    %dma_wait3A_38 = tpu.memref_slice %arg2[%add3A_4, %dma_wait3A_37] : memref<8192x1024xf32, #tpu.memory_space<hbm>> -> memref<16x1024xf32, #tpu.memory_space<hbm>>
    %dma_wait3A_39 = tpu.memref_slice %arg6[%dma_wait3A_32] : memref<4x!tpu.dma_semaphore, #tpu.memory_space<semaphore_mem>> -> memref<1x!tpu.dma_semaphore, #tpu.memory_space<semaphore_mem>>
    %dma_wait3A_40 = tpu.memref_squeeze %dma_wait3A_39 : memref<1x!tpu.dma_semaphore, #tpu.memory_space<semaphore_mem>> -> memref<!tpu.dma_semaphore, #tpu.memory_space<semaphore_mem>>
    %dma_wait3A_41 = arith.constant 0 : i32
    %dma_wait3A_42 = arith.constant 0 : i32
    %dma_wait3A_43 = tpu.memref_slice %arg4[%dma_wait3A, %dma_wait3A_41, %dma_wait3A_42] : memref<4x16x1024xf32, #tpu.memory_space<vmem>> -> memref<1x16x1024xf32, #tpu.memory_space<vmem>>
    %dma_wait3A_44 = tpu.memref_squeeze %dma_wait3A_43 : memref<1x16x1024xf32, #tpu.memory_space<vmem>> -> memref<16x1024xf32, #tpu.memory_space<vmem>>
    %dma_wait3A_45 = arith.constant 0 : i32
    %dma_wait3A_46 = tpu.memref_slice %arg2[%add3A_4, %dma_wait3A_45] : memref<8192x1024xf32, #tpu.memory_space<hbm>> -> memref<16x1024xf32, #tpu.memory_space<hbm>>
    tpu.wait_dma2 semaphore(%dma_wait3A_40 : memref<!tpu.dma_semaphore, #tpu.memory_space<semaphore_mem>>) src(%dma_wait3A_46 : memref<16x1024xf32, #tpu.memory_space<hbm>>) dst(%dma_wait3A_44 : memref<16x1024xf32, #tpu.memory_space<vmem>>)
    %add3A_47 = arith.constant 0 : i32
    %add3A_48 = arith.addi %mul3A_2, %add3A_47 : i32
    %dma_start3A_49 = arith.constant 0 : i32
    %dma_start3A_50 = arith.constant 0 : i32
    %dma_start3A_51 = arith.constant 0 : i32
    %dma_start3A_52 = arith.constant 0 : i32
    %dma_start3A_53 = tpu.memref_slice %arg4[%dma_start3A_49, %dma_start3A_51, %dma_start3A_52] : memref<4x16x1024xf32, #tpu.memory_space<vmem>> -> memref<1x16x1024xf32, #tpu.memory_space<vmem>>
    %dma_start3A_54 = tpu.memref_squeeze %dma_start3A_53 : memref<1x16x1024xf32, #tpu.memory_space<vmem>> -> memref<16x1024xf32, #tpu.memory_space<vmem>>
    %dma_start3A_55 = arith.constant 0 : i32
    %dma_start3A_56 = tpu.memref_slice %arg3[%add3A_48, %dma_start3A_55] : memref<8192x1024xf32, #tpu.memory_space<hbm>> -> memref<16x1024xf32, #tpu.memory_space<hbm>>
    %dma_start3A_57 = tpu.memref_slice %arg7[%dma_start3A_50] : memref<4x!tpu.dma_semaphore, #tpu.memory_space<semaphore_mem>> -> memref<1x!tpu.dma_semaphore, #tpu.memory_space<semaphore_mem>>
    %dma_start3A_58 = tpu.memref_squeeze %dma_start3A_57 : memref<1x!tpu.dma_semaphore, #tpu.memory_space<semaphore_mem>> -> memref<!tpu.dma_semaphore, #tpu.memory_space<semaphore_mem>>
    %dma_start3A_59 = arith.constant 0 : i32
    %dma_start3A_60 = tpu.memref_slice %arg3[%add3A_48, %dma_start3A_59] : memref<8192x1024xf32, #tpu.memory_space<hbm>> -> memref<16x1024xf32, #tpu.memory_space<hbm>>
    %dma_start3A_61 = arith.constant 0 : i32
    %dma_start3A_62 = arith.constant 0 : i32
    %dma_start3A_63 = tpu.memref_slice %arg4[%dma_start3A_49, %dma_start3A_61, %dma_start3A_62] : memref<4x16x1024xf32, #tpu.memory_space<vmem>> -> memref<1x16x1024xf32, #tpu.memory_space<vmem>>
    %dma_start3A_64 = tpu.memref_squeeze %dma_start3A_63 : memref<1x16x1024xf32, #tpu.memory_space<vmem>> -> memref<16x1024xf32, #tpu.memory_space<vmem>>
    tpu.enqueue_dma source(%dma_start3A_64 : memref<16x1024xf32, #tpu.memory_space<vmem>>) target(%dma_start3A_60 : memref<16x1024xf32, #tpu.memory_space<hbm>>) target_semaphore(%dma_start3A_58 : memref<!tpu.dma_semaphore, #tpu.memory_space<semaphore_mem>>)
    %add3A_65 = arith.constant 32 : i32
    %add3A_66 = arith.addi %mul3A_2, %add3A_65 : i32
    %dma_start3A_67 = arith.constant 1 : i32
    %dma_start3A_68 = arith.constant 1 : i32
    %dma_start3A_69 = arith.constant 0 : i32
    %dma_start3A_70 = arith.constant 0 : i32
    %dma_start3A_71 = tpu.memref_slice %arg4[%dma_start3A_67, %dma_start3A_69, %dma_start3A_70] : memref<4x16x1024xf32, #tpu.memory_space<vmem>> -> memref<1x16x1024xf32, #tpu.memory_space<vmem>>
    %dma_start3A_72 = tpu.memref_squeeze %dma_start3A_71 : memref<1x16x1024xf32, #tpu.memory_space<vmem>> -> memref<16x1024xf32, #tpu.memory_space<vmem>>
    %dma_start3A_73 = arith.constant 0 : i32
    %dma_start3A_74 = tpu.memref_slice %arg2[%add3A_66, %dma_start3A_73] : memref<8192x1024xf32, #tpu.memory_space<hbm>> -> memref<16x1024xf32, #tpu.memory_space<hbm>>
    %dma_start3A_75 = tpu.memref_slice %arg6[%dma_start3A_68] : memref<4x!tpu.dma_semaphore, #tpu.memory_space<semaphore_mem>> -> memref<1x!tpu.dma_semaphore, #tpu.memory_space<semaphore_mem>>
    %dma_start3A_76 = tpu.memref_squeeze %dma_start3A_75 : memref<1x!tpu.dma_semaphore, #tpu.memory_space<semaphore_mem>> -> memref<!tpu.dma_semaphore, #tpu.memory_space<semaphore_mem>>
    %dma_start3A_77 = arith.constant 0 : i32
    %dma_start3A_78 = arith.constant 0 : i32
    %dma_start3A_79 = tpu.memref_slice %arg4[%dma_start3A_67, %dma_start3A_77, %dma_start3A_78] : memref<4x16x1024xf32, #tpu.memory_space<vmem>> -> memref<1x16x1024xf32, #tpu.memory_space<vmem>>
    %dma_start3A_80 = tpu.memref_squeeze %dma_start3A_79 : memref<1x16x1024xf32, #tpu.memory_space<vmem>> -> memref<16x1024xf32, #tpu.memory_space<vmem>>
    %dma_start3A_81 = arith.constant 0 : i32
    %dma_start3A_82 = tpu.memref_slice %arg2[%add3A_66, %dma_start3A_81] : memref<8192x1024xf32, #tpu.memory_space<hbm>> -> memref<16x1024xf32, #tpu.memory_space<hbm>>
    tpu.enqueue_dma source(%dma_start3A_82 : memref<16x1024xf32, #tpu.memory_space<hbm>>) target(%dma_start3A_80 : memref<16x1024xf32, #tpu.memory_space<vmem>>) target_semaphore(%dma_start3A_76 : memref<!tpu.dma_semaphore, #tpu.memory_space<semaphore_mem>>)
    %dma_wait3A_83 = arith.constant 0 : i32
    %dma_wait3A_84 = arith.constant 0 : i32
    %dma_wait3A_85 = tpu.memref_slice %arg8[%dma_wait3A_84] : memref<3x!tpu.dma_semaphore, #tpu.memory_space<semaphore_mem>> -> memref<1x!tpu.dma_semaphore, #tpu.memory_space<semaphore_mem>>
    %dma_wait3A_86 = tpu.memref_squeeze %dma_wait3A_85 : memref<1x!tpu.dma_semaphore, #tpu.memory_space<semaphore_mem>> -> memref<!tpu.dma_semaphore, #tpu.memory_space<semaphore_mem>>
    %dma_wait3A_87 = arith.constant 0 : i32
    %dma_wait3A_88 = arith.constant 0 : i32
    %dma_wait3A_89 = tpu.memref_slice %arg5[%arg1, %dma_wait3A_83, %dma_wait3A_87, %dma_wait3A_88] : memref<16x3x16x1024xf32, #tpu.memory_space<vmem_shared>> -> memref<1x1x16x1024xf32, #tpu.memory_space<vmem_shared>>
    %dma_wait3A_90 = tpu.memref_squeeze %dma_wait3A_89 : memref<1x1x16x1024xf32, #tpu.memory_space<vmem_shared>> -> memref<16x1024xf32, #tpu.memory_space<vmem_shared>>
    %dma_wait3A_91 = arith.constant 0 : i32
    %dma_wait3A_92 = tpu.memref_slice %arg2[%add3A_21, %dma_wait3A_91] : memref<8192x1024xf32, #tpu.memory_space<hbm>> -> memref<16x1024xf32, #tpu.memory_space<hbm>>
    tpu.wait_dma2 semaphore(%dma_wait3A_86 : memref<!tpu.dma_semaphore, #tpu.memory_space<semaphore_mem>>) src(%dma_wait3A_92 : memref<16x1024xf32, #tpu.memory_space<hbm>>) dst(%dma_wait3A_90 : memref<16x1024xf32, #tpu.memory_space<vmem_shared>>)
    %add3A_93 = arith.constant 16 : i32
    %add3A_94 = arith.addi %mul3A_2, %add3A_93 : i32
    %dma_start3A_95 = arith.constant 0 : i32
    %dma_start3A_96 = arith.constant 0 : i32
    %dma_start3A_97 = tpu.memref_slice %arg9[%dma_start3A_96] : memref<3x!tpu.dma_semaphore, #tpu.memory_space<semaphore_mem>> -> memref<1x!tpu.dma_semaphore, #tpu.memory_space<semaphore_mem>>
    %dma_start3A_98 = tpu.memref_squeeze %dma_start3A_97 : memref<1x!tpu.dma_semaphore, #tpu.memory_space<semaphore_mem>> -> memref<!tpu.dma_semaphore, #tpu.memory_space<semaphore_mem>>
    %dma_start3A_99 = arith.constant 0 : i32
    %dma_start3A_100 = tpu.memref_slice %arg3[%add3A_94, %dma_start3A_99] : memref<8192x1024xf32, #tpu.memory_space<hbm>> -> memref<16x1024xf32, #tpu.memory_space<hbm>>
    %dma_start3A_101 = arith.constant 0 : i32
    %dma_start3A_102 = arith.constant 0 : i32
    %dma_start3A_103 = tpu.memref_slice %arg5[%arg1, %dma_start3A_95, %dma_start3A_101, %dma_start3A_102] : memref<16x3x16x1024xf32, #tpu.memory_space<vmem_shared>> -> memref<1x1x16x1024xf32, #tpu.memory_space<vmem_shared>>
    %dma_start3A_104 = tpu.memref_squeeze %dma_start3A_103 : memref<1x1x16x1024xf32, #tpu.memory_space<vmem_shared>> -> memref<16x1024xf32, #tpu.memory_space<vmem_shared>>
    tpu.enqueue_dma source(%dma_start3A_104 : memref<16x1024xf32, #tpu.memory_space<vmem_shared>>) target(%dma_start3A_100 : memref<16x1024xf32, #tpu.memory_space<hbm>>) target_semaphore(%dma_start3A_98 : memref<!tpu.dma_semaphore, #tpu.memory_space<semaphore_mem>>)
    %add3A_105 = arith.constant 48 : i32
    %add3A_106 = arith.addi %mul3A_2, %add3A_105 : i32
    %dma_start3A_107 = arith.constant 1 : i32
    %dma_start3A_108 = arith.constant 1 : i32
    %dma_start3A_109 = tpu.memref_slice %arg8[%dma_start3A_108] : memref<3x!tpu.dma_semaphore, #tpu.memory_space<semaphore_mem>> -> memref<1x!tpu.dma_semaphore, #tpu.memory_space<semaphore_mem>>
    %dma_start3A_110 = tpu.memref_squeeze %dma_start3A_109 : memref<1x!tpu.dma_semaphore, #tpu.memory_space<semaphore_mem>> -> memref<!tpu.dma_semaphore, #tpu.memory_space<semaphore_mem>>
    %dma_start3A_111 = arith.constant 0 : i32
    %dma_start3A_112 = arith.constant 0 : i32
    %dma_start3A_113 = tpu.memref_slice %arg5[%arg1, %dma_start3A_107, %dma_start3A_111, %dma_start3A_112] : memref<16x3x16x1024xf32, #tpu.memory_space<vmem_shared>> -> memref<1x1x16x1024xf32, #tpu.memory_space<vmem_shared>>
    %dma_start3A_114 = tpu.memref_squeeze %dma_start3A_113 : memref<1x1x16x1024xf32, #tpu.memory_space<vmem_shared>> -> memref<16x1024xf32, #tpu.memory_space<vmem_shared>>
    %dma_start3A_115 = arith.constant 0 : i32
    %dma_start3A_116 = tpu.memref_slice %arg2[%add3A_106, %dma_start3A_115] : memref<8192x1024xf32, #tpu.memory_space<hbm>> -> memref<16x1024xf32, #tpu.memory_space<hbm>>
    tpu.enqueue_dma source(%dma_start3A_116 : memref<16x1024xf32, #tpu.memory_space<hbm>>) target(%dma_start3A_114 : memref<16x1024xf32, #tpu.memory_space<vmem_shared>>) target_semaphore(%dma_start3A_110 : memref<!tpu.dma_semaphore, #tpu.memory_space<semaphore_mem>>)
    %dma_wait3A_117 = arith.constant 1 : i32
    %dma_wait3A_118 = arith.constant 1 : i32
    %dma_wait3A_119 = arith.constant 0 : i32
    %dma_wait3A_120 = arith.constant 0 : i32
    %dma_wait3A_121 = tpu.memref_slice %arg4[%dma_wait3A_117, %dma_wait3A_119, %dma_wait3A_120] : memref<4x16x1024xf32, #tpu.memory_space<vmem>> -> memref<1x16x1024xf32, #tpu.memory_space<vmem>>
    %dma_wait3A_122 = tpu.memref_squeeze %dma_wait3A_121 : memref<1x16x1024xf32, #tpu.memory_space<vmem>> -> memref<16x1024xf32, #tpu.memory_space<vmem>>
    %dma_wait3A_123 = arith.constant 0 : i32
    %dma_wait3A_124 = tpu.memref_slice %arg2[%add3A_66, %dma_wait3A_123] : memref<8192x1024xf32, #tpu.memory_space<hbm>> -> memref<16x1024xf32, #tpu.memory_space<hbm>>
    %dma_wait3A_125 = tpu.memref_slice %arg6[%dma_wait3A_118] : memref<4x!tpu.dma_semaphore, #tpu.memory_space<semaphore_mem>> -> memref<1x!tpu.dma_semaphore, #tpu.memory_space<semaphore_mem>>
    %dma_wait3A_126 = tpu.memref_squeeze %dma_wait3A_125 : memref<1x!tpu.dma_semaphore, #tpu.memory_space<semaphore_mem>> -> memref<!tpu.dma_semaphore, #tpu.memory_space<semaphore_mem>>
    %dma_wait3A_127 = arith.constant 0 : i32
    %dma_wait3A_128 = arith.constant 0 : i32
    %dma_wait3A_129 = tpu.memref_slice %arg4[%dma_wait3A_117, %dma_wait3A_127, %dma_wait3A_128] : memref<4x16x1024xf32, #tpu.memory_space<vmem>> -> memref<1x16x1024xf32, #tpu.memory_space<vmem>>
    %dma_wait3A_130 = tpu.memref_squeeze %dma_wait3A_129 : memref<1x16x1024xf32, #tpu.memory_space<vmem>> -> memref<16x1024xf32, #tpu.memory_space<vmem>>
    %dma_wait3A_131 = arith.constant 0 : i32
    %dma_wait3A_132 = tpu.memref_slice %arg2[%add3A_66, %dma_wait3A_131] : memref<8192x1024xf32, #tpu.memory_space<hbm>> -> memref<16x1024xf32, #tpu.memory_space<hbm>>
    tpu.wait_dma2 semaphore(%dma_wait3A_126 : memref<!tpu.dma_semaphore, #tpu.memory_space<semaphore_mem>>) src(%dma_wait3A_132 : memref<16x1024xf32, #tpu.memory_space<hbm>>) dst(%dma_wait3A_130 : memref<16x1024xf32, #tpu.memory_space<vmem>>)
    %add3A_133 = arith.constant 32 : i32
    %add3A_134 = arith.addi %mul3A_2, %add3A_133 : i32
    %dma_start3A_135 = arith.constant 1 : i32
    %dma_start3A_136 = arith.constant 1 : i32
    %dma_start3A_137 = arith.constant 0 : i32
    %dma_start3A_138 = arith.constant 0 : i32
    %dma_start3A_139 = tpu.memref_slice %arg4[%dma_start3A_135, %dma_start3A_137, %dma_start3A_138] : memref<4x16x1024xf32, #tpu.memory_space<vmem>> -> memref<1x16x1024xf32, #tpu.memory_space<vmem>>
    %dma_start3A_140 = tpu.memref_squeeze %dma_start3A_139 : memref<1x16x1024xf32, #tpu.memory_space<vmem>> -> memref<16x1024xf32, #tpu.memory_space<vmem>>
    %dma_start3A_141 = arith.constant 0 : i32
    %dma_start3A_142 = tpu.memref_slice %arg3[%add3A_134, %dma_start3A_141] : memref<8192x1024xf32, #tpu.memory_space<hbm>> -> memref<16x1024xf32, #tpu.memory_space<hbm>>
    %dma_start3A_143 = tpu.memref_slice %arg7[%dma_start3A_136] : memref<4x!tpu.dma_semaphore, #tpu.memory_space<semaphore_mem>> -> memref<1x!tpu.dma_semaphore, #tpu.memory_space<semaphore_mem>>
    %dma_start3A_144 = tpu.memref_squeeze %dma_start3A_143 : memref<1x!tpu.dma_semaphore, #tpu.memory_space<semaphore_mem>> -> memref<!tpu.dma_semaphore, #tpu.memory_space<semaphore_mem>>
    %dma_start3A_145 = arith.constant 0 : i32
    %dma_start3A_146 = tpu.memref_slice %arg3[%add3A_134, %dma_start3A_145] : memref<8192x1024xf32, #tpu.memory_space<hbm>> -> memref<16x1024xf32, #tpu.memory_space<hbm>>
    %dma_start3A_147 = arith.constant 0 : i32
    %dma_start3A_148 = arith.constant 0 : i32
    %dma_start3A_149 = tpu.memref_slice %arg4[%dma_start3A_135, %dma_start3A_147, %dma_start3A_148] : memref<4x16x1024xf32, #tpu.memory_space<vmem>> -> memref<1x16x1024xf32, #tpu.memory_space<vmem>>
    %dma_start3A_150 = tpu.memref_squeeze %dma_start3A_149 : memref<1x16x1024xf32, #tpu.memory_space<vmem>> -> memref<16x1024xf32, #tpu.memory_space<vmem>>
    tpu.enqueue_dma source(%dma_start3A_150 : memref<16x1024xf32, #tpu.memory_space<vmem>>) target(%dma_start3A_146 : memref<16x1024xf32, #tpu.memory_space<hbm>>) target_semaphore(%dma_start3A_144 : memref<!tpu.dma_semaphore, #tpu.memory_space<semaphore_mem>>)
    %add3A_151 = arith.constant 64 : i32
    %add3A_152 = arith.addi %mul3A_2, %add3A_151 : i32
    %dma_start3A_153 = arith.constant 2 : i32
    %dma_start3A_154 = arith.constant 2 : i32
    %dma_start3A_155 = arith.constant 0 : i32
    %dma_start3A_156 = arith.constant 0 : i32
    %dma_start3A_157 = tpu.memref_slice %arg4[%dma_start3A_153, %dma_start3A_155, %dma_start3A_156] : memref<4x16x1024xf32, #tpu.memory_space<vmem>> -> memref<1x16x1024xf32, #tpu.memory_space<vmem>>
    %dma_start3A_158 = tpu.memref_squeeze %dma_start3A_157 : memref<1x16x1024xf32, #tpu.memory_space<vmem>> -> memref<16x1024xf32, #tpu.memory_space<vmem>>
    %dma_start3A_159 = arith.constant 0 : i32
    %dma_start3A_160 = tpu.memref_slice %arg2[%add3A_152, %dma_start3A_159] : memref<8192x1024xf32, #tpu.memory_space<hbm>> -> memref<16x1024xf32, #tpu.memory_space<hbm>>
    %dma_start3A_161 = tpu.memref_slice %arg6[%dma_start3A_154] : memref<4x!tpu.dma_semaphore, #tpu.memory_space<semaphore_mem>> -> memref<1x!tpu.dma_semaphore, #tpu.memory_space<semaphore_mem>>
    %dma_start3A_162 = tpu.memref_squeeze %dma_start3A_161 : memref<1x!tpu.dma_semaphore, #tpu.memory_space<semaphore_mem>> -> memref<!tpu.dma_semaphore, #tpu.memory_space<semaphore_mem>>
    %dma_start3A_163 = arith.constant 0 : i32
    %dma_start3A_164 = arith.constant 0 : i32
    %dma_start3A_165 = tpu.memref_slice %arg4[%dma_start3A_153, %dma_start3A_163, %dma_start3A_164] : memref<4x16x1024xf32, #tpu.memory_space<vmem>> -> memref<1x16x1024xf32, #tpu.memory_space<vmem>>
    %dma_start3A_166 = tpu.memref_squeeze %dma_start3A_165 : memref<1x16x1024xf32, #tpu.memory_space<vmem>> -> memref<16x1024xf32, #tpu.memory_space<vmem>>
    %dma_start3A_167 = arith.constant 0 : i32
    %dma_start3A_168 = tpu.memref_slice %arg2[%add3A_152, %dma_start3A_167] : memref<8192x1024xf32, #tpu.memory_space<hbm>> -> memref<16x1024xf32, #tpu.memory_space<hbm>>
    tpu.enqueue_dma source(%dma_start3A_168 : memref<16x1024xf32, #tpu.memory_space<hbm>>) target(%dma_start3A_166 : memref<16x1024xf32, #tpu.memory_space<vmem>>) target_semaphore(%dma_start3A_162 : memref<!tpu.dma_semaphore, #tpu.memory_space<semaphore_mem>>)
    %dma_wait3A_169 = arith.constant 1 : i32
    %dma_wait3A_170 = arith.constant 1 : i32
    %dma_wait3A_171 = tpu.memref_slice %arg8[%dma_wait3A_170] : memref<3x!tpu.dma_semaphore, #tpu.memory_space<semaphore_mem>> -> memref<1x!tpu.dma_semaphore, #tpu.memory_space<semaphore_mem>>
    %dma_wait3A_172 = tpu.memref_squeeze %dma_wait3A_171 : memref<1x!tpu.dma_semaphore, #tpu.memory_space<semaphore_mem>> -> memref<!tpu.dma_semaphore, #tpu.memory_space<semaphore_mem>>
    %dma_wait3A_173 = arith.constant 0 : i32
    %dma_wait3A_174 = arith.constant 0 : i32
    %dma_wait3A_175 = tpu.memref_slice %arg5[%arg1, %dma_wait3A_169, %dma_wait3A_173, %dma_wait3A_174] : memref<16x3x16x1024xf32, #tpu.memory_space<vmem_shared>> -> memref<1x1x16x1024xf32, #tpu.memory_space<vmem_shared>>
    %dma_wait3A_176 = tpu.memref_squeeze %dma_wait3A_175 : memref<1x1x16x1024xf32, #tpu.memory_space<vmem_shared>> -> memref<16x1024xf32, #tpu.memory_space<vmem_shared>>
    %dma_wait3A_177 = arith.constant 0 : i32
    %dma_wait3A_178 = tpu.memref_slice %arg2[%add3A_106, %dma_wait3A_177] : memref<8192x1024xf32, #tpu.memory_space<hbm>> -> memref<16x1024xf32, #tpu.memory_space<hbm>>
    tpu.wait_dma2 semaphore(%dma_wait3A_172 : memref<!tpu.dma_semaphore, #tpu.memory_space<semaphore_mem>>) src(%dma_wait3A_178 : memref<16x1024xf32, #tpu.memory_space<hbm>>) dst(%dma_wait3A_176 : memref<16x1024xf32, #tpu.memory_space<vmem_shared>>)
    %add3A_179 = arith.constant 48 : i32
    %add3A_180 = arith.addi %mul3A_2, %add3A_179 : i32
    %dma_start3A_181 = arith.constant 1 : i32
    %dma_start3A_182 = arith.constant 1 : i32
    %dma_start3A_183 = tpu.memref_slice %arg9[%dma_start3A_182] : memref<3x!tpu.dma_semaphore, #tpu.memory_space<semaphore_mem>> -> memref<1x!tpu.dma_semaphore, #tpu.memory_space<semaphore_mem>>
    %dma_start3A_184 = tpu.memref_squeeze %dma_start3A_183 : memref<1x!tpu.dma_semaphore, #tpu.memory_space<semaphore_mem>> -> memref<!tpu.dma_semaphore, #tpu.memory_space<semaphore_mem>>
    %dma_start3A_185 = arith.constant 0 : i32
    %dma_start3A_186 = tpu.memref_slice %arg3[%add3A_180, %dma_start3A_185] : memref<8192x1024xf32, #tpu.memory_space<hbm>> -> memref<16x1024xf32, #tpu.memory_space<hbm>>
    %dma_start3A_187 = arith.constant 0 : i32
    %dma_start3A_188 = arith.constant 0 : i32
    %dma_start3A_189 = tpu.memref_slice %arg5[%arg1, %dma_start3A_181, %dma_start3A_187, %dma_start3A_188] : memref<16x3x16x1024xf32, #tpu.memory_space<vmem_shared>> -> memref<1x1x16x1024xf32, #tpu.memory_space<vmem_shared>>
    %dma_start3A_190 = tpu.memref_squeeze %dma_start3A_189 : memref<1x1x16x1024xf32, #tpu.memory_space<vmem_shared>> -> memref<16x1024xf32, #tpu.memory_space<vmem_shared>>
    tpu.enqueue_dma source(%dma_start3A_190 : memref<16x1024xf32, #tpu.memory_space<vmem_shared>>) target(%dma_start3A_186 : memref<16x1024xf32, #tpu.memory_space<hbm>>) target_semaphore(%dma_start3A_184 : memref<!tpu.dma_semaphore, #tpu.memory_space<semaphore_mem>>)
    %add3A_191 = arith.constant 80 : i32
    %add3A_192 = arith.addi %mul3A_2, %add3A_191 : i32
    %dma_start3A_193 = arith.constant 2 : i32
    %dma_start3A_194 = arith.constant 2 : i32
    %dma_start3A_195 = tpu.memref_slice %arg8[%dma_start3A_194] : memref<3x!tpu.dma_semaphore, #tpu.memory_space<semaphore_mem>> -> memref<1x!tpu.dma_semaphore, #tpu.memory_space<semaphore_mem>>
    %dma_start3A_196 = tpu.memref_squeeze %dma_start3A_195 : memref<1x!tpu.dma_semaphore, #tpu.memory_space<semaphore_mem>> -> memref<!tpu.dma_semaphore, #tpu.memory_space<semaphore_mem>>
    %dma_start3A_197 = arith.constant 0 : i32
    %dma_start3A_198 = arith.constant 0 : i32
    %dma_start3A_199 = tpu.memref_slice %arg5[%arg1, %dma_start3A_193, %dma_start3A_197, %dma_start3A_198] : memref<16x3x16x1024xf32, #tpu.memory_space<vmem_shared>> -> memref<1x1x16x1024xf32, #tpu.memory_space<vmem_shared>>
    %dma_start3A_200 = tpu.memref_squeeze %dma_start3A_199 : memref<1x1x16x1024xf32, #tpu.memory_space<vmem_shared>> -> memref<16x1024xf32, #tpu.memory_space<vmem_shared>>
    %dma_start3A_201 = arith.constant 0 : i32
    %dma_start3A_202 = tpu.memref_slice %arg2[%add3A_192, %dma_start3A_201] : memref<8192x1024xf32, #tpu.memory_space<hbm>> -> memref<16x1024xf32, #tpu.memory_space<hbm>>
    tpu.enqueue_dma source(%dma_start3A_202 : memref<16x1024xf32, #tpu.memory_space<hbm>>) target(%dma_start3A_200 : memref<16x1024xf32, #tpu.memory_space<vmem_shared>>) target_semaphore(%dma_start3A_196 : memref<!tpu.dma_semaphore, #tpu.memory_space<semaphore_mem>>)
    %dma_wait3A_203 = arith.constant 2 : i32
    %dma_wait3A_204 = arith.constant 2 : i32
    %dma_wait3A_205 = arith.constant 0 : i32
    %dma_wait3A_206 = arith.constant 0 : i32
    %dma_wait3A_207 = tpu.memref_slice %arg4[%dma_wait3A_203, %dma_wait3A_205, %dma_wait3A_206] : memref<4x16x1024xf32, #tpu.memory_space<vmem>> -> memref<1x16x1024xf32, #tpu.memory_space<vmem>>
    %dma_wait3A_208 = tpu.memref_squeeze %dma_wait3A_207 : memref<1x16x1024xf32, #tpu.memory_space<vmem>> -> memref<16x1024xf32, #tpu.memory_space<vmem>>
    %dma_wait3A_209 = arith.constant 0 : i32
    %dma_wait3A_210 = tpu.memref_slice %arg2[%add3A_152, %dma_wait3A_209] : memref<8192x1024xf32, #tpu.memory_space<hbm>> -> memref<16x1024xf32, #tpu.memory_space<hbm>>
    %dma_wait3A_211 = tpu.memref_slice %arg6[%dma_wait3A_204] : memref<4x!tpu.dma_semaphore, #tpu.memory_space<semaphore_mem>> -> memref<1x!tpu.dma_semaphore, #tpu.memory_space<semaphore_mem>>
    %dma_wait3A_212 = tpu.memref_squeeze %dma_wait3A_211 : memref<1x!tpu.dma_semaphore, #tpu.memory_space<semaphore_mem>> -> memref<!tpu.dma_semaphore, #tpu.memory_space<semaphore_mem>>
    %dma_wait3A_213 = arith.constant 0 : i32
    %dma_wait3A_214 = arith.constant 0 : i32
    %dma_wait3A_215 = tpu.memref_slice %arg4[%dma_wait3A_203, %dma_wait3A_213, %dma_wait3A_214] : memref<4x16x1024xf32, #tpu.memory_space<vmem>> -> memref<1x16x1024xf32, #tpu.memory_space<vmem>>
    %dma_wait3A_216 = tpu.memref_squeeze %dma_wait3A_215 : memref<1x16x1024xf32, #tpu.memory_space<vmem>> -> memref<16x1024xf32, #tpu.memory_space<vmem>>
    %dma_wait3A_217 = arith.constant 0 : i32
    %dma_wait3A_218 = tpu.memref_slice %arg2[%add3A_152, %dma_wait3A_217] : memref<8192x1024xf32, #tpu.memory_space<hbm>> -> memref<16x1024xf32, #tpu.memory_space<hbm>>
    tpu.wait_dma2 semaphore(%dma_wait3A_212 : memref<!tpu.dma_semaphore, #tpu.memory_space<semaphore_mem>>) src(%dma_wait3A_218 : memref<16x1024xf32, #tpu.memory_space<hbm>>) dst(%dma_wait3A_216 : memref<16x1024xf32, #tpu.memory_space<vmem>>)
    %add3A_219 = arith.constant 64 : i32
    %add3A_220 = arith.addi %mul3A_2, %add3A_219 : i32
    %dma_start3A_221 = arith.constant 2 : i32
    %dma_start3A_222 = arith.constant 2 : i32
    %dma_start3A_223 = arith.constant 0 : i32
    %dma_start3A_224 = arith.constant 0 : i32
    %dma_start3A_225 = tpu.memref_slice %arg4[%dma_start3A_221, %dma_start3A_223, %dma_start3A_224] : memref<4x16x1024xf32, #tpu.memory_space<vmem>> -> memref<1x16x1024xf32, #tpu.memory_space<vmem>>
    %dma_start3A_226 = tpu.memref_squeeze %dma_start3A_225 : memref<1x16x1024xf32, #tpu.memory_space<vmem>> -> memref<16x1024xf32, #tpu.memory_space<vmem>>
    %dma_start3A_227 = arith.constant 0 : i32
    %dma_start3A_228 = tpu.memref_slice %arg3[%add3A_220, %dma_start3A_227] : memref<8192x1024xf32, #tpu.memory_space<hbm>> -> memref<16x1024xf32, #tpu.memory_space<hbm>>
    %dma_start3A_229 = tpu.memref_slice %arg7[%dma_start3A_222] : memref<4x!tpu.dma_semaphore, #tpu.memory_space<semaphore_mem>> -> memref<1x!tpu.dma_semaphore, #tpu.memory_space<semaphore_mem>>
    %dma_start3A_230 = tpu.memref_squeeze %dma_start3A_229 : memref<1x!tpu.dma_semaphore, #tpu.memory_space<semaphore_mem>> -> memref<!tpu.dma_semaphore, #tpu.memory_space<semaphore_mem>>
    %dma_start3A_231 = arith.constant 0 : i32
    %dma_start3A_232 = tpu.memref_slice %arg3[%add3A_220, %dma_start3A_231] : memref<8192x1024xf32, #tpu.memory_space<hbm>> -> memref<16x1024xf32, #tpu.memory_space<hbm>>
    %dma_start3A_233 = arith.constant 0 : i32
    %dma_start3A_234 = arith.constant 0 : i32
    %dma_start3A_235 = tpu.memref_slice %arg4[%dma_start3A_221, %dma_start3A_233, %dma_start3A_234] : memref<4x16x1024xf32, #tpu.memory_space<vmem>> -> memref<1x16x1024xf32, #tpu.memory_space<vmem>>
    %dma_start3A_236 = tpu.memref_squeeze %dma_start3A_235 : memref<1x16x1024xf32, #tpu.memory_space<vmem>> -> memref<16x1024xf32, #tpu.memory_space<vmem>>
    tpu.enqueue_dma source(%dma_start3A_236 : memref<16x1024xf32, #tpu.memory_space<vmem>>) target(%dma_start3A_232 : memref<16x1024xf32, #tpu.memory_space<hbm>>) target_semaphore(%dma_start3A_230 : memref<!tpu.dma_semaphore, #tpu.memory_space<semaphore_mem>>)
    %add3A_237 = arith.constant 96 : i32
    %add3A_238 = arith.addi %mul3A_2, %add3A_237 : i32
    %dma_start3A_239 = arith.constant 3 : i32
    %dma_start3A_240 = arith.constant 3 : i32
    %dma_start3A_241 = arith.constant 0 : i32
    %dma_start3A_242 = arith.constant 0 : i32
    %dma_start3A_243 = tpu.memref_slice %arg4[%dma_start3A_239, %dma_start3A_241, %dma_start3A_242] : memref<4x16x1024xf32, #tpu.memory_space<vmem>> -> memref<1x16x1024xf32, #tpu.memory_space<vmem>>
    %dma_start3A_244 = tpu.memref_squeeze %dma_start3A_243 : memref<1x16x1024xf32, #tpu.memory_space<vmem>> -> memref<16x1024xf32, #tpu.memory_space<vmem>>
    %dma_start3A_245 = arith.constant 0 : i32
    %dma_start3A_246 = tpu.memref_slice %arg2[%add3A_238, %dma_start3A_245] : memref<8192x1024xf32, #tpu.memory_space<hbm>> -> memref<16x1024xf32, #tpu.memory_space<hbm>>
    %dma_start3A_247 = tpu.memref_slice %arg6[%dma_start3A_240] : memref<4x!tpu.dma_semaphore, #tpu.memory_space<semaphore_mem>> -> memref<1x!tpu.dma_semaphore, #tpu.memory_space<semaphore_mem>>
    %dma_start3A_248 = tpu.memref_squeeze %dma_start3A_247 : memref<1x!tpu.dma_semaphore, #tpu.memory_space<semaphore_mem>> -> memref<!tpu.dma_semaphore, #tpu.memory_space<semaphore_mem>>
    %dma_start3A_249 = arith.constant 0 : i32
    %dma_start3A_250 = arith.constant 0 : i32
    %dma_start3A_251 = tpu.memref_slice %arg4[%dma_start3A_239, %dma_start3A_249, %dma_start3A_250] : memref<4x16x1024xf32, #tpu.memory_space<vmem>> -> memref<1x16x1024xf32, #tpu.memory_space<vmem>>
    %dma_start3A_252 = tpu.memref_squeeze %dma_start3A_251 : memref<1x16x1024xf32, #tpu.memory_space<vmem>> -> memref<16x1024xf32, #tpu.memory_space<vmem>>
    %dma_start3A_253 = arith.constant 0 : i32
    %dma_start3A_254 = tpu.memref_slice %arg2[%add3A_238, %dma_start3A_253] : memref<8192x1024xf32, #tpu.memory_space<hbm>> -> memref<16x1024xf32, #tpu.memory_space<hbm>>
    tpu.enqueue_dma source(%dma_start3A_254 : memref<16x1024xf32, #tpu.memory_space<hbm>>) target(%dma_start3A_252 : memref<16x1024xf32, #tpu.memory_space<vmem>>) target_semaphore(%dma_start3A_248 : memref<!tpu.dma_semaphore, #tpu.memory_space<semaphore_mem>>)
    %dma_wait3A_255 = arith.constant 2 : i32
    %dma_wait3A_256 = arith.constant 2 : i32
    %dma_wait3A_257 = tpu.memref_slice %arg8[%dma_wait3A_256] : memref<3x!tpu.dma_semaphore, #tpu.memory_space<semaphore_mem>> -> memref<1x!tpu.dma_semaphore, #tpu.memory_space<semaphore_mem>>
    %dma_wait3A_258 = tpu.memref_squeeze %dma_wait3A_257 : memref<1x!tpu.dma_semaphore, #tpu.memory_space<semaphore_mem>> -> memref<!tpu.dma_semaphore, #tpu.memory_space<semaphore_mem>>
    %dma_wait3A_259 = arith.constant 0 : i32
    %dma_wait3A_260 = arith.constant 0 : i32
    %dma_wait3A_261 = tpu.memref_slice %arg5[%arg1, %dma_wait3A_255, %dma_wait3A_259, %dma_wait3A_260] : memref<16x3x16x1024xf32, #tpu.memory_space<vmem_shared>> -> memref<1x1x16x1024xf32, #tpu.memory_space<vmem_shared>>
    %dma_wait3A_262 = tpu.memref_squeeze %dma_wait3A_261 : memref<1x1x16x1024xf32, #tpu.memory_space<vmem_shared>> -> memref<16x1024xf32, #tpu.memory_space<vmem_shared>>
    %dma_wait3A_263 = arith.constant 0 : i32
    %dma_wait3A_264 = tpu.memref_slice %arg2[%add3A_192, %dma_wait3A_263] : memref<8192x1024xf32, #tpu.memory_space<hbm>> -> memref<16x1024xf32, #tpu.memory_space<hbm>>
    tpu.wait_dma2 semaphore(%dma_wait3A_258 : memref<!tpu.dma_semaphore, #tpu.memory_space<semaphore_mem>>) src(%dma_wait3A_264 : memref<16x1024xf32, #tpu.memory_space<hbm>>) dst(%dma_wait3A_262 : memref<16x1024xf32, #tpu.memory_space<vmem_shared>>)
    %add3A_265 = arith.constant 80 : i32
    %add3A_266 = arith.addi %mul3A_2, %add3A_265 : i32
    %dma_start3A_267 = arith.constant 2 : i32
    %dma_start3A_268 = arith.constant 2 : i32
    %dma_start3A_269 = tpu.memref_slice %arg9[%dma_start3A_268] : memref<3x!tpu.dma_semaphore, #tpu.memory_space<semaphore_mem>> -> memref<1x!tpu.dma_semaphore, #tpu.memory_space<semaphore_mem>>
    %dma_start3A_270 = tpu.memref_squeeze %dma_start3A_269 : memref<1x!tpu.dma_semaphore, #tpu.memory_space<semaphore_mem>> -> memref<!tpu.dma_semaphore, #tpu.memory_space<semaphore_mem>>
    %dma_start3A_271 = arith.constant 0 : i32
    %dma_start3A_272 = tpu.memref_slice %arg3[%add3A_266, %dma_start3A_271] : memref<8192x1024xf32, #tpu.memory_space<hbm>> -> memref<16x1024xf32, #tpu.memory_space<hbm>>
    %dma_start3A_273 = arith.constant 0 : i32
    %dma_start3A_274 = arith.constant 0 : i32
    %dma_start3A_275 = tpu.memref_slice %arg5[%arg1, %dma_start3A_267, %dma_start3A_273, %dma_start3A_274] : memref<16x3x16x1024xf32, #tpu.memory_space<vmem_shared>> -> memref<1x1x16x1024xf32, #tpu.memory_space<vmem_shared>>
    %dma_start3A_276 = tpu.memref_squeeze %dma_start3A_275 : memref<1x1x16x1024xf32, #tpu.memory_space<vmem_shared>> -> memref<16x1024xf32, #tpu.memory_space<vmem_shared>>
    tpu.enqueue_dma source(%dma_start3A_276 : memref<16x1024xf32, #tpu.memory_space<vmem_shared>>) target(%dma_start3A_272 : memref<16x1024xf32, #tpu.memory_space<hbm>>) target_semaphore(%dma_start3A_270 : memref<!tpu.dma_semaphore, #tpu.memory_space<semaphore_mem>>)
    %dma_wait3A_277 = arith.constant 0 : i32
    %dma_wait3A_278 = arith.constant 0 : i32
    %dma_wait3A_279 = tpu.memref_slice %arg9[%dma_wait3A_278] : memref<3x!tpu.dma_semaphore, #tpu.memory_space<semaphore_mem>> -> memref<1x!tpu.dma_semaphore, #tpu.memory_space<semaphore_mem>>
    %dma_wait3A_280 = tpu.memref_squeeze %dma_wait3A_279 : memref<1x!tpu.dma_semaphore, #tpu.memory_space<semaphore_mem>> -> memref<!tpu.dma_semaphore, #tpu.memory_space<semaphore_mem>>
    %dma_wait3A_281 = arith.constant 0 : i32
    %dma_wait3A_282 = tpu.memref_slice %arg3[%add3A_94, %dma_wait3A_281] : memref<8192x1024xf32, #tpu.memory_space<hbm>> -> memref<16x1024xf32, #tpu.memory_space<hbm>>
    %dma_wait3A_283 = arith.constant 0 : i32
    %dma_wait3A_284 = arith.constant 0 : i32
    %dma_wait3A_285 = tpu.memref_slice %arg5[%arg1, %dma_wait3A_277, %dma_wait3A_283, %dma_wait3A_284] : memref<16x3x16x1024xf32, #tpu.memory_space<vmem_shared>> -> memref<1x1x16x1024xf32, #tpu.memory_space<vmem_shared>>
    %dma_wait3A_286 = tpu.memref_squeeze %dma_wait3A_285 : memref<1x1x16x1024xf32, #tpu.memory_space<vmem_shared>> -> memref<16x1024xf32, #tpu.memory_space<vmem_shared>>
    tpu.wait_dma2 semaphore(%dma_wait3A_280 : memref<!tpu.dma_semaphore, #tpu.memory_space<semaphore_mem>>) src(%dma_wait3A_286 : memref<16x1024xf32, #tpu.memory_space<vmem_shared>>) dst(%dma_wait3A_282 : memref<16x1024xf32, #tpu.memory_space<hbm>>)
    %add3A_287 = arith.constant 112 : i32
    %add3A_288 = arith.addi %mul3A_2, %add3A_287 : i32
    %dma_start3A_289 = arith.constant 0 : i32
    %dma_start3A_290 = arith.constant 0 : i32
    %dma_start3A_291 = tpu.memref_slice %arg8[%dma_start3A_290] : memref<3x!tpu.dma_semaphore, #tpu.memory_space<semaphore_mem>> -> memref<1x!tpu.dma_semaphore, #tpu.memory_space<semaphore_mem>>
    %dma_start3A_292 = tpu.memref_squeeze %dma_start3A_291 : memref<1x!tpu.dma_semaphore, #tpu.memory_space<semaphore_mem>> -> memref<!tpu.dma_semaphore, #tpu.memory_space<semaphore_mem>>
    %dma_start3A_293 = arith.constant 0 : i32
    %dma_start3A_294 = arith.constant 0 : i32
    %dma_start3A_295 = tpu.memref_slice %arg5[%arg1, %dma_start3A_289, %dma_start3A_293, %dma_start3A_294] : memref<16x3x16x1024xf32, #tpu.memory_space<vmem_shared>> -> memref<1x1x16x1024xf32, #tpu.memory_space<vmem_shared>>
    %dma_start3A_296 = tpu.memref_squeeze %dma_start3A_295 : memref<1x1x16x1024xf32, #tpu.memory_space<vmem_shared>> -> memref<16x1024xf32, #tpu.memory_space<vmem_shared>>
    %dma_start3A_297 = arith.constant 0 : i32
    %dma_start3A_298 = tpu.memref_slice %arg2[%add3A_288, %dma_start3A_297] : memref<8192x1024xf32, #tpu.memory_space<hbm>> -> memref<16x1024xf32, #tpu.memory_space<hbm>>
    tpu.enqueue_dma source(%dma_start3A_298 : memref<16x1024xf32, #tpu.memory_space<hbm>>) target(%dma_start3A_296 : memref<16x1024xf32, #tpu.memory_space<vmem_shared>>) target_semaphore(%dma_start3A_292 : memref<!tpu.dma_semaphore, #tpu.memory_space<semaphore_mem>>)
    %dma_wait3A_299 = arith.constant 3 : i32
    %dma_wait3A_300 = arith.constant 3 : i32
    %dma_wait3A_301 = arith.constant 0 : i32
    %dma_wait3A_302 = arith.constant 0 : i32
    %dma_wait3A_303 = tpu.memref_slice %arg4[%dma_wait3A_299, %dma_wait3A_301, %dma_wait3A_302] : memref<4x16x1024xf32, #tpu.memory_space<vmem>> -> memref<1x16x1024xf32, #tpu.memory_space<vmem>>
    %dma_wait3A_304 = tpu.memref_squeeze %dma_wait3A_303 : memref<1x16x1024xf32, #tpu.memory_space<vmem>> -> memref<16x1024xf32, #tpu.memory_space<vmem>>
    %dma_wait3A_305 = arith.constant 0 : i32
    %dma_wait3A_306 = tpu.memref_slice %arg2[%add3A_238, %dma_wait3A_305] : memref<8192x1024xf32, #tpu.memory_space<hbm>> -> memref<16x1024xf32, #tpu.memory_space<hbm>>
    %dma_wait3A_307 = tpu.memref_slice %arg6[%dma_wait3A_300] : memref<4x!tpu.dma_semaphore, #tpu.memory_space<semaphore_mem>> -> memref<1x!tpu.dma_semaphore, #tpu.memory_space<semaphore_mem>>
    %dma_wait3A_308 = tpu.memref_squeeze %dma_wait3A_307 : memref<1x!tpu.dma_semaphore, #tpu.memory_space<semaphore_mem>> -> memref<!tpu.dma_semaphore, #tpu.memory_space<semaphore_mem>>
    %dma_wait3A_309 = arith.constant 0 : i32
    %dma_wait3A_310 = arith.constant 0 : i32
    %dma_wait3A_311 = tpu.memref_slice %arg4[%dma_wait3A_299, %dma_wait3A_309, %dma_wait3A_310] : memref<4x16x1024xf32, #tpu.memory_space<vmem>> -> memref<1x16x1024xf32, #tpu.memory_space<vmem>>
    %dma_wait3A_312 = tpu.memref_squeeze %dma_wait3A_311 : memref<1x16x1024xf32, #tpu.memory_space<vmem>> -> memref<16x1024xf32, #tpu.memory_space<vmem>>
    %dma_wait3A_313 = arith.constant 0 : i32
    %dma_wait3A_314 = tpu.memref_slice %arg2[%add3A_238, %dma_wait3A_313] : memref<8192x1024xf32, #tpu.memory_space<hbm>> -> memref<16x1024xf32, #tpu.memory_space<hbm>>
    tpu.wait_dma2 semaphore(%dma_wait3A_308 : memref<!tpu.dma_semaphore, #tpu.memory_space<semaphore_mem>>) src(%dma_wait3A_314 : memref<16x1024xf32, #tpu.memory_space<hbm>>) dst(%dma_wait3A_312 : memref<16x1024xf32, #tpu.memory_space<vmem>>)
    %add3A_315 = arith.constant 96 : i32
    %add3A_316 = arith.addi %mul3A_2, %add3A_315 : i32
    %dma_start3A_317 = arith.constant 3 : i32
    %dma_start3A_318 = arith.constant 3 : i32
    %dma_start3A_319 = arith.constant 0 : i32
    %dma_start3A_320 = arith.constant 0 : i32
    %dma_start3A_321 = tpu.memref_slice %arg4[%dma_start3A_317, %dma_start3A_319, %dma_start3A_320] : memref<4x16x1024xf32, #tpu.memory_space<vmem>> -> memref<1x16x1024xf32, #tpu.memory_space<vmem>>
    %dma_start3A_322 = tpu.memref_squeeze %dma_start3A_321 : memref<1x16x1024xf32, #tpu.memory_space<vmem>> -> memref<16x1024xf32, #tpu.memory_space<vmem>>
    %dma_start3A_323 = arith.constant 0 : i32
    %dma_start3A_324 = tpu.memref_slice %arg3[%add3A_316, %dma_start3A_323] : memref<8192x1024xf32, #tpu.memory_space<hbm>> -> memref<16x1024xf32, #tpu.memory_space<hbm>>
    %dma_start3A_325 = tpu.memref_slice %arg7[%dma_start3A_318] : memref<4x!tpu.dma_semaphore, #tpu.memory_space<semaphore_mem>> -> memref<1x!tpu.dma_semaphore, #tpu.memory_space<semaphore_mem>>
    %dma_start3A_326 = tpu.memref_squeeze %dma_start3A_325 : memref<1x!tpu.dma_semaphore, #tpu.memory_space<semaphore_mem>> -> memref<!tpu.dma_semaphore, #tpu.memory_space<semaphore_mem>>
    %dma_start3A_327 = arith.constant 0 : i32
    %dma_start3A_328 = tpu.memref_slice %arg3[%add3A_316, %dma_start3A_327] : memref<8192x1024xf32, #tpu.memory_space<hbm>> -> memref<16x1024xf32, #tpu.memory_space<hbm>>
    %dma_start3A_329 = arith.constant 0 : i32
    %dma_start3A_330 = arith.constant 0 : i32
    %dma_start3A_331 = tpu.memref_slice %arg4[%dma_start3A_317, %dma_start3A_329, %dma_start3A_330] : memref<4x16x1024xf32, #tpu.memory_space<vmem>> -> memref<1x16x1024xf32, #tpu.memory_space<vmem>>
    %dma_start3A_332 = tpu.memref_squeeze %dma_start3A_331 : memref<1x16x1024xf32, #tpu.memory_space<vmem>> -> memref<16x1024xf32, #tpu.memory_space<vmem>>
    tpu.enqueue_dma source(%dma_start3A_332 : memref<16x1024xf32, #tpu.memory_space<vmem>>) target(%dma_start3A_328 : memref<16x1024xf32, #tpu.memory_space<hbm>>) target_semaphore(%dma_start3A_326 : memref<!tpu.dma_semaphore, #tpu.memory_space<semaphore_mem>>)
    %dma_wait3A_333 = arith.constant 0 : i32
    %dma_wait3A_334 = arith.constant 0 : i32
    %dma_wait3A_335 = arith.constant 0 : i32
    %dma_wait3A_336 = arith.constant 0 : i32
    %dma_wait3A_337 = tpu.memref_slice %arg4[%dma_wait3A_333, %dma_wait3A_335, %dma_wait3A_336] : memref<4x16x1024xf32, #tpu.memory_space<vmem>> -> memref<1x16x1024xf32, #tpu.memory_space<vmem>>
    %dma_wait3A_338 = tpu.memref_squeeze %dma_wait3A_337 : memref<1x16x1024xf32, #tpu.memory_space<vmem>> -> memref<16x1024xf32, #tpu.memory_space<vmem>>
    %dma_wait3A_339 = arith.constant 0 : i32
    %dma_wait3A_340 = tpu.memref_slice %arg3[%add3A_48, %dma_wait3A_339] : memref<8192x1024xf32, #tpu.memory_space<hbm>> -> memref<16x1024xf32, #tpu.memory_space<hbm>>
    %dma_wait3A_341 = tpu.memref_slice %arg7[%dma_wait3A_334] : memref<4x!tpu.dma_semaphore, #tpu.memory_space<semaphore_mem>> -> memref<1x!tpu.dma_semaphore, #tpu.memory_space<semaphore_mem>>
    %dma_wait3A_342 = tpu.memref_squeeze %dma_wait3A_341 : memref<1x!tpu.dma_semaphore, #tpu.memory_space<semaphore_mem>> -> memref<!tpu.dma_semaphore, #tpu.memory_space<semaphore_mem>>
    %dma_wait3A_343 = arith.constant 0 : i32
    %dma_wait3A_344 = tpu.memref_slice %arg3[%add3A_48, %dma_wait3A_343] : memref<8192x1024xf32, #tpu.memory_space<hbm>> -> memref<16x1024xf32, #tpu.memory_space<hbm>>
    %dma_wait3A_345 = arith.constant 0 : i32
    %dma_wait3A_346 = arith.constant 0 : i32
    %dma_wait3A_347 = tpu.memref_slice %arg4[%dma_wait3A_333, %dma_wait3A_345, %dma_wait3A_346] : memref<4x16x1024xf32, #tpu.memory_space<vmem>> -> memref<1x16x1024xf32, #tpu.memory_space<vmem>>
    %dma_wait3A_348 = tpu.memref_squeeze %dma_wait3A_347 : memref<1x16x1024xf32, #tpu.memory_space<vmem>> -> memref<16x1024xf32, #tpu.memory_space<vmem>>
    tpu.wait_dma2 semaphore(%dma_wait3A_342 : memref<!tpu.dma_semaphore, #tpu.memory_space<semaphore_mem>>) src(%dma_wait3A_348 : memref<16x1024xf32, #tpu.memory_space<vmem>>) dst(%dma_wait3A_344 : memref<16x1024xf32, #tpu.memory_space<hbm>>)
    %add3A_349 = arith.constant 128 : i32
    %add3A_350 = arith.addi %mul3A_2, %add3A_349 : i32
    %dma_start3A_351 = arith.constant 0 : i32
    %dma_start3A_352 = arith.constant 0 : i32
    %dma_start3A_353 = arith.constant 0 : i32
    %dma_start3A_354 = arith.constant 0 : i32
    %dma_start3A_355 = tpu.memref_slice %arg4[%dma_start3A_351, %dma_start3A_353, %dma_start3A_354] : memref<4x16x1024xf32, #tpu.memory_space<vmem>> -> memref<1x16x1024xf32, #tpu.memory_space<vmem>>
    %dma_start3A_356 = tpu.memref_squeeze %dma_start3A_355 : memref<1x16x1024xf32, #tpu.memory_space<vmem>> -> memref<16x1024xf32, #tpu.memory_space<vmem>>
    %dma_start3A_357 = arith.constant 0 : i32
    %dma_start3A_358 = tpu.memref_slice %arg2[%add3A_350, %dma_start3A_357] : memref<8192x1024xf32, #tpu.memory_space<hbm>> -> memref<16x1024xf32, #tpu.memory_space<hbm>>
    %dma_start3A_359 = tpu.memref_slice %arg6[%dma_start3A_352] : memref<4x!tpu.dma_semaphore, #tpu.memory_space<semaphore_mem>> -> memref<1x!tpu.dma_semaphore, #tpu.memory_space<semaphore_mem>>
    %dma_start3A_360 = tpu.memref_squeeze %dma_start3A_359 : memref<1x!tpu.dma_semaphore, #tpu.memory_space<semaphore_mem>> -> memref<!tpu.dma_semaphore, #tpu.memory_space<semaphore_mem>>
    %dma_start3A_361 = arith.constant 0 : i32
    %dma_start3A_362 = arith.constant 0 : i32
    %dma_start3A_363 = tpu.memref_slice %arg4[%dma_start3A_351, %dma_start3A_361, %dma_start3A_362] : memref<4x16x1024xf32, #tpu.memory_space<vmem>> -> memref<1x16x1024xf32, #tpu.memory_space<vmem>>
    %dma_start3A_364 = tpu.memref_squeeze %dma_start3A_363 : memref<1x16x1024xf32, #tpu.memory_space<vmem>> -> memref<16x1024xf32, #tpu.memory_space<vmem>>
    %dma_start3A_365 = arith.constant 0 : i32
    %dma_start3A_366 = tpu.memref_slice %arg2[%add3A_350, %dma_start3A_365] : memref<8192x1024xf32, #tpu.memory_space<hbm>> -> memref<16x1024xf32, #tpu.memory_space<hbm>>
    tpu.enqueue_dma source(%dma_start3A_366 : memref<16x1024xf32, #tpu.memory_space<hbm>>) target(%dma_start3A_364 : memref<16x1024xf32, #tpu.memory_space<vmem>>) target_semaphore(%dma_start3A_360 : memref<!tpu.dma_semaphore, #tpu.memory_space<semaphore_mem>>)
    %dma_wait3A_367 = arith.constant 0 : i32
    %dma_wait3A_368 = arith.constant 0 : i32
    %dma_wait3A_369 = tpu.memref_slice %arg8[%dma_wait3A_368] : memref<3x!tpu.dma_semaphore, #tpu.memory_space<semaphore_mem>> -> memref<1x!tpu.dma_semaphore, #tpu.memory_space<semaphore_mem>>
    %dma_wait3A_370 = tpu.memref_squeeze %dma_wait3A_369 : memref<1x!tpu.dma_semaphore, #tpu.memory_space<semaphore_mem>> -> memref<!tpu.dma_semaphore, #tpu.memory_space<semaphore_mem>>
    %dma_wait3A_371 = arith.constant 0 : i32
    %dma_wait3A_372 = arith.constant 0 : i32
    %dma_wait3A_373 = tpu.memref_slice %arg5[%arg1, %dma_wait3A_367, %dma_wait3A_371, %dma_wait3A_372] : memref<16x3x16x1024xf32, #tpu.memory_space<vmem_shared>> -> memref<1x1x16x1024xf32, #tpu.memory_space<vmem_shared>>
    %dma_wait3A_374 = tpu.memref_squeeze %dma_wait3A_373 : memref<1x1x16x1024xf32, #tpu.memory_space<vmem_shared>> -> memref<16x1024xf32, #tpu.memory_space<vmem_shared>>
    %dma_wait3A_375 = arith.constant 0 : i32
    %dma_wait3A_376 = tpu.memref_slice %arg2[%add3A_288, %dma_wait3A_375] : memref<8192x1024xf32, #tpu.memory_space<hbm>> -> memref<16x1024xf32, #tpu.memory_space<hbm>>
    tpu.wait_dma2 semaphore(%dma_wait3A_370 : memref<!tpu.dma_semaphore, #tpu.memory_space<semaphore_mem>>) src(%dma_wait3A_376 : memref<16x1024xf32, #tpu.memory_space<hbm>>) dst(%dma_wait3A_374 : memref<16x1024xf32, #tpu.memory_space<vmem_shared>>)
    %add3A_377 = arith.constant 112 : i32
    %add3A_378 = arith.addi %mul3A_2, %add3A_377 : i32
    %dma_start3A_379 = arith.constant 0 : i32
    %dma_start3A_380 = arith.constant 0 : i32
    %dma_start3A_381 = tpu.memref_slice %arg9[%dma_start3A_380] : memref<3x!tpu.dma_semaphore, #tpu.memory_space<semaphore_mem>> -> memref<1x!tpu.dma_semaphore, #tpu.memory_space<semaphore_mem>>
    %dma_start3A_382 = tpu.memref_squeeze %dma_start3A_381 : memref<1x!tpu.dma_semaphore, #tpu.memory_space<semaphore_mem>> -> memref<!tpu.dma_semaphore, #tpu.memory_space<semaphore_mem>>
    %dma_start3A_383 = arith.constant 0 : i32
    %dma_start3A_384 = tpu.memref_slice %arg3[%add3A_378, %dma_start3A_383] : memref<8192x1024xf32, #tpu.memory_space<hbm>> -> memref<16x1024xf32, #tpu.memory_space<hbm>>
    %dma_start3A_385 = arith.constant 0 : i32
    %dma_start3A_386 = arith.constant 0 : i32
    %dma_start3A_387 = tpu.memref_slice %arg5[%arg1, %dma_start3A_379, %dma_start3A_385, %dma_start3A_386] : memref<16x3x16x1024xf32, #tpu.memory_space<vmem_shared>> -> memref<1x1x16x1024xf32, #tpu.memory_space<vmem_shared>>
    %dma_start3A_388 = tpu.memref_squeeze %dma_start3A_387 : memref<1x1x16x1024xf32, #tpu.memory_space<vmem_shared>> -> memref<16x1024xf32, #tpu.memory_space<vmem_shared>>
    tpu.enqueue_dma source(%dma_start3A_388 : memref<16x1024xf32, #tpu.memory_space<vmem_shared>>) target(%dma_start3A_384 : memref<16x1024xf32, #tpu.memory_space<hbm>>) target_semaphore(%dma_start3A_382 : memref<!tpu.dma_semaphore, #tpu.memory_space<semaphore_mem>>)
    %dma_wait3A_389 = arith.constant 1 : i32
    %dma_wait3A_390 = arith.constant 1 : i32
    %dma_wait3A_391 = tpu.memref_slice %arg9[%dma_wait3A_390] : memref<3x!tpu.dma_semaphore, #tpu.memory_space<semaphore_mem>> -> memref<1x!tpu.dma_semaphore, #tpu.memory_space<semaphore_mem>>
    %dma_wait3A_392 = tpu.memref_squeeze %dma_wait3A_391 : memref<1x!tpu.dma_semaphore, #tpu.memory_space<semaphore_mem>> -> memref<!tpu.dma_semaphore, #tpu.memory_space<semaphore_mem>>
    %dma_wait3A_393 = arith.constant 0 : i32
    %dma_wait3A_394 = tpu.memref_slice %arg3[%add3A_180, %dma_wait3A_393] : memref<8192x1024xf32, #tpu.memory_space<hbm>> -> memref<16x1024xf32, #tpu.memory_space<hbm>>
    %dma_wait3A_395 = arith.constant 0 : i32
    %dma_wait3A_396 = arith.constant 0 : i32
    %dma_wait3A_397 = tpu.memref_slice %arg5[%arg1, %dma_wait3A_389, %dma_wait3A_395, %dma_wait3A_396] : memref<16x3x16x1024xf32, #tpu.memory_space<vmem_shared>> -> memref<1x1x16x1024xf32, #tpu.memory_space<vmem_shared>>
    %dma_wait3A_398 = tpu.memref_squeeze %dma_wait3A_397 : memref<1x1x16x1024xf32, #tpu.memory_space<vmem_shared>> -> memref<16x1024xf32, #tpu.memory_space<vmem_shared>>
    tpu.wait_dma2 semaphore(%dma_wait3A_392 : memref<!tpu.dma_semaphore, #tpu.memory_space<semaphore_mem>>) src(%dma_wait3A_398 : memref<16x1024xf32, #tpu.memory_space<vmem_shared>>) dst(%dma_wait3A_394 : memref<16x1024xf32, #tpu.memory_space<hbm>>)
    %add3A_399 = arith.constant 144 : i32
    %add3A_400 = arith.addi %mul3A_2, %add3A_399 : i32
    %dma_start3A_401 = arith.constant 1 : i32
    %dma_start3A_402 = arith.constant 1 : i32
    %dma_start3A_403 = tpu.memref_slice %arg8[%dma_start3A_402] : memref<3x!tpu.dma_semaphore, #tpu.memory_space<semaphore_mem>> -> memref<1x!tpu.dma_semaphore, #tpu.memory_space<semaphore_mem>>
    %dma_start3A_404 = tpu.memref_squeeze %dma_start3A_403 : memref<1x!tpu.dma_semaphore, #tpu.memory_space<semaphore_mem>> -> memref<!tpu.dma_semaphore, #tpu.memory_space<semaphore_mem>>
    %dma_start3A_405 = arith.constant 0 : i32
    %dma_start3A_406 = arith.constant 0 : i32
    %dma_start3A_407 = tpu.memref_slice %arg5[%arg1, %dma_start3A_401, %dma_start3A_405, %dma_start3A_406] : memref<16x3x16x1024xf32, #tpu.memory_space<vmem_shared>> -> memref<1x1x16x1024xf32, #tpu.memory_space<vmem_shared>>
    %dma_start3A_408 = tpu.memref_squeeze %dma_start3A_407 : memref<1x1x16x1024xf32, #tpu.memory_space<vmem_shared>> -> memref<16x1024xf32, #tpu.memory_space<vmem_shared>>
    %dma_start3A_409 = arith.constant 0 : i32
    %dma_start3A_410 = tpu.memref_slice %arg2[%add3A_400, %dma_start3A_409] : memref<8192x1024xf32, #tpu.memory_space<hbm>> -> memref<16x1024xf32, #tpu.memory_space<hbm>>
    tpu.enqueue_dma source(%dma_start3A_410 : memref<16x1024xf32, #tpu.memory_space<hbm>>) target(%dma_start3A_408 : memref<16x1024xf32, #tpu.memory_space<vmem_shared>>) target_semaphore(%dma_start3A_404 : memref<!tpu.dma_semaphore, #tpu.memory_space<semaphore_mem>>)
    %dma_wait3A_411 = arith.constant 0 : i32
    %dma_wait3A_412 = arith.constant 0 : i32
    %dma_wait3A_413 = arith.constant 0 : i32
    %dma_wait3A_414 = arith.constant 0 : i32
    %dma_wait3A_415 = tpu.memref_slice %arg4[%dma_wait3A_411, %dma_wait3A_413, %dma_wait3A_414] : memref<4x16x1024xf32, #tpu.memory_space<vmem>> -> memref<1x16x1024xf32, #tpu.memory_space<vmem>>
    %dma_wait3A_416 = tpu.memref_squeeze %dma_wait3A_415 : memref<1x16x1024xf32, #tpu.memory_space<vmem>> -> memref<16x1024xf32, #tpu.memory_space<vmem>>
    %dma_wait3A_417 = arith.constant 0 : i32
    %dma_wait3A_418 = tpu.memref_slice %arg2[%add3A_350, %dma_wait3A_417] : memref<8192x1024xf32, #tpu.memory_space<hbm>> -> memref<16x1024xf32, #tpu.memory_space<hbm>>
    %dma_wait3A_419 = tpu.memref_slice %arg6[%dma_wait3A_412] : memref<4x!tpu.dma_semaphore, #tpu.memory_space<semaphore_mem>> -> memref<1x!tpu.dma_semaphore, #tpu.memory_space<semaphore_mem>>
    %dma_wait3A_420 = tpu.memref_squeeze %dma_wait3A_419 : memref<1x!tpu.dma_semaphore, #tpu.memory_space<semaphore_mem>> -> memref<!tpu.dma_semaphore, #tpu.memory_space<semaphore_mem>>
    %dma_wait3A_421 = arith.constant 0 : i32
    %dma_wait3A_422 = arith.constant 0 : i32
    %dma_wait3A_423 = tpu.memref_slice %arg4[%dma_wait3A_411, %dma_wait3A_421, %dma_wait3A_422] : memref<4x16x1024xf32, #tpu.memory_space<vmem>> -> memref<1x16x1024xf32, #tpu.memory_space<vmem>>
    %dma_wait3A_424 = tpu.memref_squeeze %dma_wait3A_423 : memref<1x16x1024xf32, #tpu.memory_space<vmem>> -> memref<16x1024xf32, #tpu.memory_space<vmem>>
    %dma_wait3A_425 = arith.constant 0 : i32
    %dma_wait3A_426 = tpu.memref_slice %arg2[%add3A_350, %dma_wait3A_425] : memref<8192x1024xf32, #tpu.memory_space<hbm>> -> memref<16x1024xf32, #tpu.memory_space<hbm>>
    tpu.wait_dma2 semaphore(%dma_wait3A_420 : memref<!tpu.dma_semaphore, #tpu.memory_space<semaphore_mem>>) src(%dma_wait3A_426 : memref<16x1024xf32, #tpu.memory_space<hbm>>) dst(%dma_wait3A_424 : memref<16x1024xf32, #tpu.memory_space<vmem>>)
    %add3A_427 = arith.constant 128 : i32
    %add3A_428 = arith.addi %mul3A_2, %add3A_427 : i32
    %dma_start3A_429 = arith.constant 0 : i32
    %dma_start3A_430 = arith.constant 0 : i32
    %dma_start3A_431 = arith.constant 0 : i32
    %dma_start3A_432 = arith.constant 0 : i32
    %dma_start3A_433 = tpu.memref_slice %arg4[%dma_start3A_429, %dma_start3A_431, %dma_start3A_432] : memref<4x16x1024xf32, #tpu.memory_space<vmem>> -> memref<1x16x1024xf32, #tpu.memory_space<vmem>>
    %dma_start3A_434 = tpu.memref_squeeze %dma_start3A_433 : memref<1x16x1024xf32, #tpu.memory_space<vmem>> -> memref<16x1024xf32, #tpu.memory_space<vmem>>
    %dma_start3A_435 = arith.constant 0 : i32
    %dma_start3A_436 = tpu.memref_slice %arg3[%add3A_428, %dma_start3A_435] : memref<8192x1024xf32, #tpu.memory_space<hbm>> -> memref<16x1024xf32, #tpu.memory_space<hbm>>
    %dma_start3A_437 = tpu.memref_slice %arg7[%dma_start3A_430] : memref<4x!tpu.dma_semaphore, #tpu.memory_space<semaphore_mem>> -> memref<1x!tpu.dma_semaphore, #tpu.memory_space<semaphore_mem>>
    %dma_start3A_438 = tpu.memref_squeeze %dma_start3A_437 : memref<1x!tpu.dma_semaphore, #tpu.memory_space<semaphore_mem>> -> memref<!tpu.dma_semaphore, #tpu.memory_space<semaphore_mem>>
    %dma_start3A_439 = arith.constant 0 : i32
    %dma_start3A_440 = tpu.memref_slice %arg3[%add3A_428, %dma_start3A_439] : memref<8192x1024xf32, #tpu.memory_space<hbm>> -> memref<16x1024xf32, #tpu.memory_space<hbm>>
    %dma_start3A_441 = arith.constant 0 : i32
    %dma_start3A_442 = arith.constant 0 : i32
    %dma_start3A_443 = tpu.memref_slice %arg4[%dma_start3A_429, %dma_start3A_441, %dma_start3A_442] : memref<4x16x1024xf32, #tpu.memory_space<vmem>> -> memref<1x16x1024xf32, #tpu.memory_space<vmem>>
    %dma_start3A_444 = tpu.memref_squeeze %dma_start3A_443 : memref<1x16x1024xf32, #tpu.memory_space<vmem>> -> memref<16x1024xf32, #tpu.memory_space<vmem>>
    tpu.enqueue_dma source(%dma_start3A_444 : memref<16x1024xf32, #tpu.memory_space<vmem>>) target(%dma_start3A_440 : memref<16x1024xf32, #tpu.memory_space<hbm>>) target_semaphore(%dma_start3A_438 : memref<!tpu.dma_semaphore, #tpu.memory_space<semaphore_mem>>)
    %dma_wait3A_445 = arith.constant 1 : i32
    %dma_wait3A_446 = arith.constant 1 : i32
    %dma_wait3A_447 = arith.constant 0 : i32
    %dma_wait3A_448 = arith.constant 0 : i32
    %dma_wait3A_449 = tpu.memref_slice %arg4[%dma_wait3A_445, %dma_wait3A_447, %dma_wait3A_448] : memref<4x16x1024xf32, #tpu.memory_space<vmem>> -> memref<1x16x1024xf32, #tpu.memory_space<vmem>>
    %dma_wait3A_450 = tpu.memref_squeeze %dma_wait3A_449 : memref<1x16x1024xf32, #tpu.memory_space<vmem>> -> memref<16x1024xf32, #tpu.memory_space<vmem>>
    %dma_wait3A_451 = arith.constant 0 : i32
    %dma_wait3A_452 = tpu.memref_slice %arg3[%add3A_134, %dma_wait3A_451] : memref<8192x1024xf32, #tpu.memory_space<hbm>> -> memref<16x1024xf32, #tpu.memory_space<hbm>>
    %dma_wait3A_453 = tpu.memref_slice %arg7[%dma_wait3A_446] : memref<4x!tpu.dma_semaphore, #tpu.memory_space<semaphore_mem>> -> memref<1x!tpu.dma_semaphore, #tpu.memory_space<semaphore_mem>>
    %dma_wait3A_454 = tpu.memref_squeeze %dma_wait3A_453 : memref<1x!tpu.dma_semaphore, #tpu.memory_space<semaphore_mem>> -> memref<!tpu.dma_semaphore, #tpu.memory_space<semaphore_mem>>
    %dma_wait3A_455 = arith.constant 0 : i32
    %dma_wait3A_456 = tpu.memref_slice %arg3[%add3A_134, %dma_wait3A_455] : memref<8192x1024xf32, #tpu.memory_space<hbm>> -> memref<16x1024xf32, #tpu.memory_space<hbm>>
    %dma_wait3A_457 = arith.constant 0 : i32
    %dma_wait3A_458 = arith.constant 0 : i32
    %dma_wait3A_459 = tpu.memref_slice %arg4[%dma_wait3A_445, %dma_wait3A_457, %dma_wait3A_458] : memref<4x16x1024xf32, #tpu.memory_space<vmem>> -> memref<1x16x1024xf32, #tpu.memory_space<vmem>>
    %dma_wait3A_460 = tpu.memref_squeeze %dma_wait3A_459 : memref<1x16x1024xf32, #tpu.memory_space<vmem>> -> memref<16x1024xf32, #tpu.memory_space<vmem>>
    tpu.wait_dma2 semaphore(%dma_wait3A_454 : memref<!tpu.dma_semaphore, #tpu.memory_space<semaphore_mem>>) src(%dma_wait3A_460 : memref<16x1024xf32, #tpu.memory_space<vmem>>) dst(%dma_wait3A_456 : memref<16x1024xf32, #tpu.memory_space<hbm>>)
    %add3A_461 = arith.constant 160 : i32
    %add3A_462 = arith.addi %mul3A_2, %add3A_461 : i32
    %dma_start3A_463 = arith.constant 1 : i32
    %dma_start3A_464 = arith.constant 1 : i32
    %dma_start3A_465 = arith.constant 0 : i32
    %dma_start3A_466 = arith.constant 0 : i32
    %dma_start3A_467 = tpu.memref_slice %arg4[%dma_start3A_463, %dma_start3A_465, %dma_start3A_466] : memref<4x16x1024xf32, #tpu.memory_space<vmem>> -> memref<1x16x1024xf32, #tpu.memory_space<vmem>>
    %dma_start3A_468 = tpu.memref_squeeze %dma_start3A_467 : memref<1x16x1024xf32, #tpu.memory_space<vmem>> -> memref<16x1024xf32, #tpu.memory_space<vmem>>
    %dma_start3A_469 = arith.constant 0 : i32
    %dma_start3A_470 = tpu.memref_slice %arg2[%add3A_462, %dma_start3A_469] : memref<8192x1024xf32, #tpu.memory_space<hbm>> -> memref<16x1024xf32, #tpu.memory_space<hbm>>
    %dma_start3A_471 = tpu.memref_slice %arg6[%dma_start3A_464] : memref<4x!tpu.dma_semaphore, #tpu.memory_space<semaphore_mem>> -> memref<1x!tpu.dma_semaphore, #tpu.memory_space<semaphore_mem>>
    %dma_start3A_472 = tpu.memref_squeeze %dma_start3A_471 : memref<1x!tpu.dma_semaphore, #tpu.memory_space<semaphore_mem>> -> memref<!tpu.dma_semaphore, #tpu.memory_space<semaphore_mem>>
    %dma_start3A_473 = arith.constant 0 : i32
    %dma_start3A_474 = arith.constant 0 : i32
    %dma_start3A_475 = tpu.memref_slice %arg4[%dma_start3A_463, %dma_start3A_473, %dma_start3A_474] : memref<4x16x1024xf32, #tpu.memory_space<vmem>> -> memref<1x16x1024xf32, #tpu.memory_space<vmem>>
    %dma_start3A_476 = tpu.memref_squeeze %dma_start3A_475 : memref<1x16x1024xf32, #tpu.memory_space<vmem>> -> memref<16x1024xf32, #tpu.memory_space<vmem>>
    %dma_start3A_477 = arith.constant 0 : i32
    %dma_start3A_478 = tpu.memref_slice %arg2[%add3A_462, %dma_start3A_477] : memref<8192x1024xf32, #tpu.memory_space<hbm>> -> memref<16x1024xf32, #tpu.memory_space<hbm>>
    tpu.enqueue_dma source(%dma_start3A_478 : memref<16x1024xf32, #tpu.memory_space<hbm>>) target(%dma_start3A_476 : memref<16x1024xf32, #tpu.memory_space<vmem>>) target_semaphore(%dma_start3A_472 : memref<!tpu.dma_semaphore, #tpu.memory_space<semaphore_mem>>)
    %dma_wait3A_479 = arith.constant 1 : i32
    %dma_wait3A_480 = arith.constant 1 : i32
    %dma_wait3A_481 = tpu.memref_slice %arg8[%dma_wait3A_480] : memref<3x!tpu.dma_semaphore, #tpu.memory_space<semaphore_mem>> -> memref<1x!tpu.dma_semaphore, #tpu.memory_space<semaphore_mem>>
    %dma_wait3A_482 = tpu.memref_squeeze %dma_wait3A_481 : memref<1x!tpu.dma_semaphore, #tpu.memory_space<semaphore_mem>> -> memref<!tpu.dma_semaphore, #tpu.memory_space<semaphore_mem>>
    %dma_wait3A_483 = arith.constant 0 : i32
    %dma_wait3A_484 = arith.constant 0 : i32
    %dma_wait3A_485 = tpu.memref_slice %arg5[%arg1, %dma_wait3A_479, %dma_wait3A_483, %dma_wait3A_484] : memref<16x3x16x1024xf32, #tpu.memory_space<vmem_shared>> -> memref<1x1x16x1024xf32, #tpu.memory_space<vmem_shared>>
    %dma_wait3A_486 = tpu.memref_squeeze %dma_wait3A_485 : memref<1x1x16x1024xf32, #tpu.memory_space<vmem_shared>> -> memref<16x1024xf32, #tpu.memory_space<vmem_shared>>
    %dma_wait3A_487 = arith.constant 0 : i32
    %dma_wait3A_488 = tpu.memref_slice %arg2[%add3A_400, %dma_wait3A_487] : memref<8192x1024xf32, #tpu.memory_space<hbm>> -> memref<16x1024xf32, #tpu.memory_space<hbm>>
    tpu.wait_dma2 semaphore(%dma_wait3A_482 : memref<!tpu.dma_semaphore, #tpu.memory_space<semaphore_mem>>) src(%dma_wait3A_488 : memref<16x1024xf32, #tpu.memory_space<hbm>>) dst(%dma_wait3A_486 : memref<16x1024xf32, #tpu.memory_space<vmem_shared>>)
    %add3A_489 = arith.constant 144 : i32
    %add3A_490 = arith.addi %mul3A_2, %add3A_489 : i32
    %dma_start3A_491 = arith.constant 1 : i32
    %dma_start3A_492 = arith.constant 1 : i32
    %dma_start3A_493 = tpu.memref_slice %arg9[%dma_start3A_492] : memref<3x!tpu.dma_semaphore, #tpu.memory_space<semaphore_mem>> -> memref<1x!tpu.dma_semaphore, #tpu.memory_space<semaphore_mem>>
    %dma_start3A_494 = tpu.memref_squeeze %dma_start3A_493 : memref<1x!tpu.dma_semaphore, #tpu.memory_space<semaphore_mem>> -> memref<!tpu.dma_semaphore, #tpu.memory_space<semaphore_mem>>
    %dma_start3A_495 = arith.constant 0 : i32
    %dma_start3A_496 = tpu.memref_slice %arg3[%add3A_490, %dma_start3A_495] : memref<8192x1024xf32, #tpu.memory_space<hbm>> -> memref<16x1024xf32, #tpu.memory_space<hbm>>
    %dma_start3A_497 = arith.constant 0 : i32
    %dma_start3A_498 = arith.constant 0 : i32
    %dma_start3A_499 = tpu.memref_slice %arg5[%arg1, %dma_start3A_491, %dma_start3A_497, %dma_start3A_498] : memref<16x3x16x1024xf32, #tpu.memory_space<vmem_shared>> -> memref<1x1x16x1024xf32, #tpu.memory_space<vmem_shared>>
    %dma_start3A_500 = tpu.memref_squeeze %dma_start3A_499 : memref<1x1x16x1024xf32, #tpu.memory_space<vmem_shared>> -> memref<16x1024xf32, #tpu.memory_space<vmem_shared>>
    tpu.enqueue_dma source(%dma_start3A_500 : memref<16x1024xf32, #tpu.memory_space<vmem_shared>>) target(%dma_start3A_496 : memref<16x1024xf32, #tpu.memory_space<hbm>>) target_semaphore(%dma_start3A_494 : memref<!tpu.dma_semaphore, #tpu.memory_space<semaphore_mem>>)
    %dma_wait3A_501 = arith.constant 2 : i32
    %dma_wait3A_502 = arith.constant 2 : i32
    %dma_wait3A_503 = tpu.memref_slice %arg9[%dma_wait3A_502] : memref<3x!tpu.dma_semaphore, #tpu.memory_space<semaphore_mem>> -> memref<1x!tpu.dma_semaphore, #tpu.memory_space<semaphore_mem>>
    %dma_wait3A_504 = tpu.memref_squeeze %dma_wait3A_503 : memref<1x!tpu.dma_semaphore, #tpu.memory_space<semaphore_mem>> -> memref<!tpu.dma_semaphore, #tpu.memory_space<semaphore_mem>>
    %dma_wait3A_505 = arith.constant 0 : i32
    %dma_wait3A_506 = tpu.memref_slice %arg3[%add3A_266, %dma_wait3A_505] : memref<8192x1024xf32, #tpu.memory_space<hbm>> -> memref<16x1024xf32, #tpu.memory_space<hbm>>
    %dma_wait3A_507 = arith.constant 0 : i32
    %dma_wait3A_508 = arith.constant 0 : i32
    %dma_wait3A_509 = tpu.memref_slice %arg5[%arg1, %dma_wait3A_501, %dma_wait3A_507, %dma_wait3A_508] : memref<16x3x16x1024xf32, #tpu.memory_space<vmem_shared>> -> memref<1x1x16x1024xf32, #tpu.memory_space<vmem_shared>>
    %dma_wait3A_510 = tpu.memref_squeeze %dma_wait3A_509 : memref<1x1x16x1024xf32, #tpu.memory_space<vmem_shared>> -> memref<16x1024xf32, #tpu.memory_space<vmem_shared>>
    tpu.wait_dma2 semaphore(%dma_wait3A_504 : memref<!tpu.dma_semaphore, #tpu.memory_space<semaphore_mem>>) src(%dma_wait3A_510 : memref<16x1024xf32, #tpu.memory_space<vmem_shared>>) dst(%dma_wait3A_506 : memref<16x1024xf32, #tpu.memory_space<hbm>>)
    %add3A_511 = arith.constant 176 : i32
    %add3A_512 = arith.addi %mul3A_2, %add3A_511 : i32
    %dma_start3A_513 = arith.constant 2 : i32
    %dma_start3A_514 = arith.constant 2 : i32
    %dma_start3A_515 = tpu.memref_slice %arg8[%dma_start3A_514] : memref<3x!tpu.dma_semaphore, #tpu.memory_space<semaphore_mem>> -> memref<1x!tpu.dma_semaphore, #tpu.memory_space<semaphore_mem>>
    %dma_start3A_516 = tpu.memref_squeeze %dma_start3A_515 : memref<1x!tpu.dma_semaphore, #tpu.memory_space<semaphore_mem>> -> memref<!tpu.dma_semaphore, #tpu.memory_space<semaphore_mem>>
    %dma_start3A_517 = arith.constant 0 : i32
    %dma_start3A_518 = arith.constant 0 : i32
    %dma_start3A_519 = tpu.memref_slice %arg5[%arg1, %dma_start3A_513, %dma_start3A_517, %dma_start3A_518] : memref<16x3x16x1024xf32, #tpu.memory_space<vmem_shared>> -> memref<1x1x16x1024xf32, #tpu.memory_space<vmem_shared>>
    %dma_start3A_520 = tpu.memref_squeeze %dma_start3A_519 : memref<1x1x16x1024xf32, #tpu.memory_space<vmem_shared>> -> memref<16x1024xf32, #tpu.memory_space<vmem_shared>>
    %dma_start3A_521 = arith.constant 0 : i32
    %dma_start3A_522 = tpu.memref_slice %arg2[%add3A_512, %dma_start3A_521] : memref<8192x1024xf32, #tpu.memory_space<hbm>> -> memref<16x1024xf32, #tpu.memory_space<hbm>>
    tpu.enqueue_dma source(%dma_start3A_522 : memref<16x1024xf32, #tpu.memory_space<hbm>>) target(%dma_start3A_520 : memref<16x1024xf32, #tpu.memory_space<vmem_shared>>) target_semaphore(%dma_start3A_516 : memref<!tpu.dma_semaphore, #tpu.memory_space<semaphore_mem>>)
    %dma_wait3A_523 = arith.constant 1 : i32
    %dma_wait3A_524 = arith.constant 1 : i32
    %dma_wait3A_525 = arith.constant 0 : i32
    %dma_wait3A_526 = arith.constant 0 : i32
    %dma_wait3A_527 = tpu.memref_slice %arg4[%dma_wait3A_523, %dma_wait3A_525, %dma_wait3A_526] : memref<4x16x1024xf32, #tpu.memory_space<vmem>> -> memref<1x16x1024xf32, #tpu.memory_space<vmem>>
    %dma_wait3A_528 = tpu.memref_squeeze %dma_wait3A_527 : memref<1x16x1024xf32, #tpu.memory_space<vmem>> -> memref<16x1024xf32, #tpu.memory_space<vmem>>
    %dma_wait3A_529 = arith.constant 0 : i32
    %dma_wait3A_530 = tpu.memref_slice %arg2[%add3A_462, %dma_wait3A_529] : memref<8192x1024xf32, #tpu.memory_space<hbm>> -> memref<16x1024xf32, #tpu.memory_space<hbm>>
    %dma_wait3A_531 = tpu.memref_slice %arg6[%dma_wait3A_524] : memref<4x!tpu.dma_semaphore, #tpu.memory_space<semaphore_mem>> -> memref<1x!tpu.dma_semaphore, #tpu.memory_space<semaphore_mem>>
    %dma_wait3A_532 = tpu.memref_squeeze %dma_wait3A_531 : memref<1x!tpu.dma_semaphore, #tpu.memory_space<semaphore_mem>> -> memref<!tpu.dma_semaphore, #tpu.memory_space<semaphore_mem>>
    %dma_wait3A_533 = arith.constant 0 : i32
    %dma_wait3A_534 = arith.constant 0 : i32
    %dma_wait3A_535 = tpu.memref_slice %arg4[%dma_wait3A_523, %dma_wait3A_533, %dma_wait3A_534] : memref<4x16x1024xf32, #tpu.memory_space<vmem>> -> memref<1x16x1024xf32, #tpu.memory_space<vmem>>
    %dma_wait3A_536 = tpu.memref_squeeze %dma_wait3A_535 : memref<1x16x1024xf32, #tpu.memory_space<vmem>> -> memref<16x1024xf32, #tpu.memory_space<vmem>>
    %dma_wait3A_537 = arith.constant 0 : i32
    %dma_wait3A_538 = tpu.memref_slice %arg2[%add3A_462, %dma_wait3A_537] : memref<8192x1024xf32, #tpu.memory_space<hbm>> -> memref<16x1024xf32, #tpu.memory_space<hbm>>
    tpu.wait_dma2 semaphore(%dma_wait3A_532 : memref<!tpu.dma_semaphore, #tpu.memory_space<semaphore_mem>>) src(%dma_wait3A_538 : memref<16x1024xf32, #tpu.memory_space<hbm>>) dst(%dma_wait3A_536 : memref<16x1024xf32, #tpu.memory_space<vmem>>)
    %add3A_539 = arith.constant 160 : i32
    %add3A_540 = arith.addi %mul3A_2, %add3A_539 : i32
    %dma_start3A_541 = arith.constant 1 : i32
    %dma_start3A_542 = arith.constant 1 : i32
    %dma_start3A_543 = arith.constant 0 : i32
    %dma_start3A_544 = arith.constant 0 : i32
    %dma_start3A_545 = tpu.memref_slice %arg4[%dma_start3A_541, %dma_start3A_543, %dma_start3A_544] : memref<4x16x1024xf32, #tpu.memory_space<vmem>> -> memref<1x16x1024xf32, #tpu.memory_space<vmem>>
    %dma_start3A_546 = tpu.memref_squeeze %dma_start3A_545 : memref<1x16x1024xf32, #tpu.memory_space<vmem>> -> memref<16x1024xf32, #tpu.memory_space<vmem>>
    %dma_start3A_547 = arith.constant 0 : i32
    %dma_start3A_548 = tpu.memref_slice %arg3[%add3A_540, %dma_start3A_547] : memref<8192x1024xf32, #tpu.memory_space<hbm>> -> memref<16x1024xf32, #tpu.memory_space<hbm>>
    %dma_start3A_549 = tpu.memref_slice %arg7[%dma_start3A_542] : memref<4x!tpu.dma_semaphore, #tpu.memory_space<semaphore_mem>> -> memref<1x!tpu.dma_semaphore, #tpu.memory_space<semaphore_mem>>
    %dma_start3A_550 = tpu.memref_squeeze %dma_start3A_549 : memref<1x!tpu.dma_semaphore, #tpu.memory_space<semaphore_mem>> -> memref<!tpu.dma_semaphore, #tpu.memory_space<semaphore_mem>>
    %dma_start3A_551 = arith.constant 0 : i32
    %dma_start3A_552 = tpu.memref_slice %arg3[%add3A_540, %dma_start3A_551] : memref<8192x1024xf32, #tpu.memory_space<hbm>> -> memref<16x1024xf32, #tpu.memory_space<hbm>>
    %dma_start3A_553 = arith.constant 0 : i32
    %dma_start3A_554 = arith.constant 0 : i32
    %dma_start3A_555 = tpu.memref_slice %arg4[%dma_start3A_541, %dma_start3A_553, %dma_start3A_554] : memref<4x16x1024xf32, #tpu.memory_space<vmem>> -> memref<1x16x1024xf32, #tpu.memory_space<vmem>>
    %dma_start3A_556 = tpu.memref_squeeze %dma_start3A_555 : memref<1x16x1024xf32, #tpu.memory_space<vmem>> -> memref<16x1024xf32, #tpu.memory_space<vmem>>
    tpu.enqueue_dma source(%dma_start3A_556 : memref<16x1024xf32, #tpu.memory_space<vmem>>) target(%dma_start3A_552 : memref<16x1024xf32, #tpu.memory_space<hbm>>) target_semaphore(%dma_start3A_550 : memref<!tpu.dma_semaphore, #tpu.memory_space<semaphore_mem>>)
    %dma_wait3A_557 = arith.constant 2 : i32
    %dma_wait3A_558 = arith.constant 2 : i32
    %dma_wait3A_559 = arith.constant 0 : i32
    %dma_wait3A_560 = arith.constant 0 : i32
    %dma_wait3A_561 = tpu.memref_slice %arg4[%dma_wait3A_557, %dma_wait3A_559, %dma_wait3A_560] : memref<4x16x1024xf32, #tpu.memory_space<vmem>> -> memref<1x16x1024xf32, #tpu.memory_space<vmem>>
    %dma_wait3A_562 = tpu.memref_squeeze %dma_wait3A_561 : memref<1x16x1024xf32, #tpu.memory_space<vmem>> -> memref<16x1024xf32, #tpu.memory_space<vmem>>
    %dma_wait3A_563 = arith.constant 0 : i32
    %dma_wait3A_564 = tpu.memref_slice %arg3[%add3A_220, %dma_wait3A_563] : memref<8192x1024xf32, #tpu.memory_space<hbm>> -> memref<16x1024xf32, #tpu.memory_space<hbm>>
    %dma_wait3A_565 = tpu.memref_slice %arg7[%dma_wait3A_558] : memref<4x!tpu.dma_semaphore, #tpu.memory_space<semaphore_mem>> -> memref<1x!tpu.dma_semaphore, #tpu.memory_space<semaphore_mem>>
    %dma_wait3A_566 = tpu.memref_squeeze %dma_wait3A_565 : memref<1x!tpu.dma_semaphore, #tpu.memory_space<semaphore_mem>> -> memref<!tpu.dma_semaphore, #tpu.memory_space<semaphore_mem>>
    %dma_wait3A_567 = arith.constant 0 : i32
    %dma_wait3A_568 = tpu.memref_slice %arg3[%add3A_220, %dma_wait3A_567] : memref<8192x1024xf32, #tpu.memory_space<hbm>> -> memref<16x1024xf32, #tpu.memory_space<hbm>>
    %dma_wait3A_569 = arith.constant 0 : i32
    %dma_wait3A_570 = arith.constant 0 : i32
    %dma_wait3A_571 = tpu.memref_slice %arg4[%dma_wait3A_557, %dma_wait3A_569, %dma_wait3A_570] : memref<4x16x1024xf32, #tpu.memory_space<vmem>> -> memref<1x16x1024xf32, #tpu.memory_space<vmem>>
    %dma_wait3A_572 = tpu.memref_squeeze %dma_wait3A_571 : memref<1x16x1024xf32, #tpu.memory_space<vmem>> -> memref<16x1024xf32, #tpu.memory_space<vmem>>
    tpu.wait_dma2 semaphore(%dma_wait3A_566 : memref<!tpu.dma_semaphore, #tpu.memory_space<semaphore_mem>>) src(%dma_wait3A_572 : memref<16x1024xf32, #tpu.memory_space<vmem>>) dst(%dma_wait3A_568 : memref<16x1024xf32, #tpu.memory_space<hbm>>)
    %add3A_573 = arith.constant 192 : i32
    %add3A_574 = arith.addi %mul3A_2, %add3A_573 : i32
    %dma_start3A_575 = arith.constant 2 : i32
    %dma_start3A_576 = arith.constant 2 : i32
    %dma_start3A_577 = arith.constant 0 : i32
    %dma_start3A_578 = arith.constant 0 : i32
    %dma_start3A_579 = tpu.memref_slice %arg4[%dma_start3A_575, %dma_start3A_577, %dma_start3A_578] : memref<4x16x1024xf32, #tpu.memory_space<vmem>> -> memref<1x16x1024xf32, #tpu.memory_space<vmem>>
    %dma_start3A_580 = tpu.memref_squeeze %dma_start3A_579 : memref<1x16x1024xf32, #tpu.memory_space<vmem>> -> memref<16x1024xf32, #tpu.memory_space<vmem>>
    %dma_start3A_581 = arith.constant 0 : i32
    %dma_start3A_582 = tpu.memref_slice %arg2[%add3A_574, %dma_start3A_581] : memref<8192x1024xf32, #tpu.memory_space<hbm>> -> memref<16x1024xf32, #tpu.memory_space<hbm>>
    %dma_start3A_583 = tpu.memref_slice %arg6[%dma_start3A_576] : memref<4x!tpu.dma_semaphore, #tpu.memory_space<semaphore_mem>> -> memref<1x!tpu.dma_semaphore, #tpu.memory_space<semaphore_mem>>
    %dma_start3A_584 = tpu.memref_squeeze %dma_start3A_583 : memref<1x!tpu.dma_semaphore, #tpu.memory_space<semaphore_mem>> -> memref<!tpu.dma_semaphore, #tpu.memory_space<semaphore_mem>>
    %dma_start3A_585 = arith.constant 0 : i32
    %dma_start3A_586 = arith.constant 0 : i32
    %dma_start3A_587 = tpu.memref_slice %arg4[%dma_start3A_575, %dma_start3A_585, %dma_start3A_586] : memref<4x16x1024xf32, #tpu.memory_space<vmem>> -> memref<1x16x1024xf32, #tpu.memory_space<vmem>>
    %dma_start3A_588 = tpu.memref_squeeze %dma_start3A_587 : memref<1x16x1024xf32, #tpu.memory_space<vmem>> -> memref<16x1024xf32, #tpu.memory_space<vmem>>
    %dma_start3A_589 = arith.constant 0 : i32
    %dma_start3A_590 = tpu.memref_slice %arg2[%add3A_574, %dma_start3A_589] : memref<8192x1024xf32, #tpu.memory_space<hbm>> -> memref<16x1024xf32, #tpu.memory_space<hbm>>
    tpu.enqueue_dma source(%dma_start3A_590 : memref<16x1024xf32, #tpu.memory_space<hbm>>) target(%dma_start3A_588 : memref<16x1024xf32, #tpu.memory_space<vmem>>) target_semaphore(%dma_start3A_584 : memref<!tpu.dma_semaphore, #tpu.memory_space<semaphore_mem>>)
    %dma_wait3A_591 = arith.constant 2 : i32
    %dma_wait3A_592 = arith.constant 2 : i32
    %dma_wait3A_593 = tpu.memref_slice %arg8[%dma_wait3A_592] : memref<3x!tpu.dma_semaphore, #tpu.memory_space<semaphore_mem>> -> memref<1x!tpu.dma_semaphore, #tpu.memory_space<semaphore_mem>>
    %dma_wait3A_594 = tpu.memref_squeeze %dma_wait3A_593 : memref<1x!tpu.dma_semaphore, #tpu.memory_space<semaphore_mem>> -> memref<!tpu.dma_semaphore, #tpu.memory_space<semaphore_mem>>
    %dma_wait3A_595 = arith.constant 0 : i32
    %dma_wait3A_596 = arith.constant 0 : i32
    %dma_wait3A_597 = tpu.memref_slice %arg5[%arg1, %dma_wait3A_591, %dma_wait3A_595, %dma_wait3A_596] : memref<16x3x16x1024xf32, #tpu.memory_space<vmem_shared>> -> memref<1x1x16x1024xf32, #tpu.memory_space<vmem_shared>>
    %dma_wait3A_598 = tpu.memref_squeeze %dma_wait3A_597 : memref<1x1x16x1024xf32, #tpu.memory_space<vmem_shared>> -> memref<16x1024xf32, #tpu.memory_space<vmem_shared>>
    %dma_wait3A_599 = arith.constant 0 : i32
    %dma_wait3A_600 = tpu.memref_slice %arg2[%add3A_512, %dma_wait3A_599] : memref<8192x1024xf32, #tpu.memory_space<hbm>> -> memref<16x1024xf32, #tpu.memory_space<hbm>>
    tpu.wait_dma2 semaphore(%dma_wait3A_594 : memref<!tpu.dma_semaphore, #tpu.memory_space<semaphore_mem>>) src(%dma_wait3A_600 : memref<16x1024xf32, #tpu.memory_space<hbm>>) dst(%dma_wait3A_598 : memref<16x1024xf32, #tpu.memory_space<vmem_shared>>)
    %add3A_601 = arith.constant 176 : i32
    %add3A_602 = arith.addi %mul3A_2, %add3A_601 : i32
    %dma_start3A_603 = arith.constant 2 : i32
    %dma_start3A_604 = arith.constant 2 : i32
    %dma_start3A_605 = tpu.memref_slice %arg9[%dma_start3A_604] : memref<3x!tpu.dma_semaphore, #tpu.memory_space<semaphore_mem>> -> memref<1x!tpu.dma_semaphore, #tpu.memory_space<semaphore_mem>>
    %dma_start3A_606 = tpu.memref_squeeze %dma_start3A_605 : memref<1x!tpu.dma_semaphore, #tpu.memory_space<semaphore_mem>> -> memref<!tpu.dma_semaphore, #tpu.memory_space<semaphore_mem>>
    %dma_start3A_607 = arith.constant 0 : i32
    %dma_start3A_608 = tpu.memref_slice %arg3[%add3A_602, %dma_start3A_607] : memref<8192x1024xf32, #tpu.memory_space<hbm>> -> memref<16x1024xf32, #tpu.memory_space<hbm>>
    %dma_start3A_609 = arith.constant 0 : i32
    %dma_start3A_610 = arith.constant 0 : i32
    %dma_start3A_611 = tpu.memref_slice %arg5[%arg1, %dma_start3A_603, %dma_start3A_609, %dma_start3A_610] : memref<16x3x16x1024xf32, #tpu.memory_space<vmem_shared>> -> memref<1x1x16x1024xf32, #tpu.memory_space<vmem_shared>>
    %dma_start3A_612 = tpu.memref_squeeze %dma_start3A_611 : memref<1x1x16x1024xf32, #tpu.memory_space<vmem_shared>> -> memref<16x1024xf32, #tpu.memory_space<vmem_shared>>
    tpu.enqueue_dma source(%dma_start3A_612 : memref<16x1024xf32, #tpu.memory_space<vmem_shared>>) target(%dma_start3A_608 : memref<16x1024xf32, #tpu.memory_space<hbm>>) target_semaphore(%dma_start3A_606 : memref<!tpu.dma_semaphore, #tpu.memory_space<semaphore_mem>>)
    %dma_wait3A_613 = arith.constant 0 : i32
    %dma_wait3A_614 = arith.constant 0 : i32
    %dma_wait3A_615 = tpu.memref_slice %arg9[%dma_wait3A_614] : memref<3x!tpu.dma_semaphore, #tpu.memory_space<semaphore_mem>> -> memref<1x!tpu.dma_semaphore, #tpu.memory_space<semaphore_mem>>
    %dma_wait3A_616 = tpu.memref_squeeze %dma_wait3A_615 : memref<1x!tpu.dma_semaphore, #tpu.memory_space<semaphore_mem>> -> memref<!tpu.dma_semaphore, #tpu.memory_space<semaphore_mem>>
    %dma_wait3A_617 = arith.constant 0 : i32
    %dma_wait3A_618 = tpu.memref_slice %arg3[%add3A_378, %dma_wait3A_617] : memref<8192x1024xf32, #tpu.memory_space<hbm>> -> memref<16x1024xf32, #tpu.memory_space<hbm>>
    %dma_wait3A_619 = arith.constant 0 : i32
    %dma_wait3A_620 = arith.constant 0 : i32
    %dma_wait3A_621 = tpu.memref_slice %arg5[%arg1, %dma_wait3A_613, %dma_wait3A_619, %dma_wait3A_620] : memref<16x3x16x1024xf32, #tpu.memory_space<vmem_shared>> -> memref<1x1x16x1024xf32, #tpu.memory_space<vmem_shared>>
    %dma_wait3A_622 = tpu.memref_squeeze %dma_wait3A_621 : memref<1x1x16x1024xf32, #tpu.memory_space<vmem_shared>> -> memref<16x1024xf32, #tpu.memory_space<vmem_shared>>
    tpu.wait_dma2 semaphore(%dma_wait3A_616 : memref<!tpu.dma_semaphore, #tpu.memory_space<semaphore_mem>>) src(%dma_wait3A_622 : memref<16x1024xf32, #tpu.memory_space<vmem_shared>>) dst(%dma_wait3A_618 : memref<16x1024xf32, #tpu.memory_space<hbm>>)
    %add3A_623 = arith.constant 208 : i32
    %add3A_624 = arith.addi %mul3A_2, %add3A_623 : i32
    %dma_start3A_625 = arith.constant 0 : i32
    %dma_start3A_626 = arith.constant 0 : i32
    %dma_start3A_627 = tpu.memref_slice %arg8[%dma_start3A_626] : memref<3x!tpu.dma_semaphore, #tpu.memory_space<semaphore_mem>> -> memref<1x!tpu.dma_semaphore, #tpu.memory_space<semaphore_mem>>
    %dma_start3A_628 = tpu.memref_squeeze %dma_start3A_627 : memref<1x!tpu.dma_semaphore, #tpu.memory_space<semaphore_mem>> -> memref<!tpu.dma_semaphore, #tpu.memory_space<semaphore_mem>>
    %dma_start3A_629 = arith.constant 0 : i32
    %dma_start3A_630 = arith.constant 0 : i32
    %dma_start3A_631 = tpu.memref_slice %arg5[%arg1, %dma_start3A_625, %dma_start3A_629, %dma_start3A_630] : memref<16x3x16x1024xf32, #tpu.memory_space<vmem_shared>> -> memref<1x1x16x1024xf32, #tpu.memory_space<vmem_shared>>
    %dma_start3A_632 = tpu.memref_squeeze %dma_start3A_631 : memref<1x1x16x1024xf32, #tpu.memory_space<vmem_shared>> -> memref<16x1024xf32, #tpu.memory_space<vmem_shared>>
    %dma_start3A_633 = arith.constant 0 : i32
    %dma_start3A_634 = tpu.memref_slice %arg2[%add3A_624, %dma_start3A_633] : memref<8192x1024xf32, #tpu.memory_space<hbm>> -> memref<16x1024xf32, #tpu.memory_space<hbm>>
    tpu.enqueue_dma source(%dma_start3A_634 : memref<16x1024xf32, #tpu.memory_space<hbm>>) target(%dma_start3A_632 : memref<16x1024xf32, #tpu.memory_space<vmem_shared>>) target_semaphore(%dma_start3A_628 : memref<!tpu.dma_semaphore, #tpu.memory_space<semaphore_mem>>)
    %dma_wait3A_635 = arith.constant 2 : i32
    %dma_wait3A_636 = arith.constant 2 : i32
    %dma_wait3A_637 = arith.constant 0 : i32
    %dma_wait3A_638 = arith.constant 0 : i32
    %dma_wait3A_639 = tpu.memref_slice %arg4[%dma_wait3A_635, %dma_wait3A_637, %dma_wait3A_638] : memref<4x16x1024xf32, #tpu.memory_space<vmem>> -> memref<1x16x1024xf32, #tpu.memory_space<vmem>>
    %dma_wait3A_640 = tpu.memref_squeeze %dma_wait3A_639 : memref<1x16x1024xf32, #tpu.memory_space<vmem>> -> memref<16x1024xf32, #tpu.memory_space<vmem>>
    %dma_wait3A_641 = arith.constant 0 : i32
    %dma_wait3A_642 = tpu.memref_slice %arg2[%add3A_574, %dma_wait3A_641] : memref<8192x1024xf32, #tpu.memory_space<hbm>> -> memref<16x1024xf32, #tpu.memory_space<hbm>>
    %dma_wait3A_643 = tpu.memref_slice %arg6[%dma_wait3A_636] : memref<4x!tpu.dma_semaphore, #tpu.memory_space<semaphore_mem>> -> memref<1x!tpu.dma_semaphore, #tpu.memory_space<semaphore_mem>>
    %dma_wait3A_644 = tpu.memref_squeeze %dma_wait3A_643 : memref<1x!tpu.dma_semaphore, #tpu.memory_space<semaphore_mem>> -> memref<!tpu.dma_semaphore, #tpu.memory_space<semaphore_mem>>
    %dma_wait3A_645 = arith.constant 0 : i32
    %dma_wait3A_646 = arith.constant 0 : i32
    %dma_wait3A_647 = tpu.memref_slice %arg4[%dma_wait3A_635, %dma_wait3A_645, %dma_wait3A_646] : memref<4x16x1024xf32, #tpu.memory_space<vmem>> -> memref<1x16x1024xf32, #tpu.memory_space<vmem>>
    %dma_wait3A_648 = tpu.memref_squeeze %dma_wait3A_647 : memref<1x16x1024xf32, #tpu.memory_space<vmem>> -> memref<16x1024xf32, #tpu.memory_space<vmem>>
    %dma_wait3A_649 = arith.constant 0 : i32
    %dma_wait3A_650 = tpu.memref_slice %arg2[%add3A_574, %dma_wait3A_649] : memref<8192x1024xf32, #tpu.memory_space<hbm>> -> memref<16x1024xf32, #tpu.memory_space<hbm>>
    tpu.wait_dma2 semaphore(%dma_wait3A_644 : memref<!tpu.dma_semaphore, #tpu.memory_space<semaphore_mem>>) src(%dma_wait3A_650 : memref<16x1024xf32, #tpu.memory_space<hbm>>) dst(%dma_wait3A_648 : memref<16x1024xf32, #tpu.memory_space<vmem>>)
    %add3A_651 = arith.constant 192 : i32
    %add3A_652 = arith.addi %mul3A_2, %add3A_651 : i32
    %dma_start3A_653 = arith.constant 2 : i32
    %dma_start3A_654 = arith.constant 2 : i32
    %dma_start3A_655 = arith.constant 0 : i32
    %dma_start3A_656 = arith.constant 0 : i32
    %dma_start3A_657 = tpu.memref_slice %arg4[%dma_start3A_653, %dma_start3A_655, %dma_start3A_656] : memref<4x16x1024xf32, #tpu.memory_space<vmem>> -> memref<1x16x1024xf32, #tpu.memory_space<vmem>>
    %dma_start3A_658 = tpu.memref_squeeze %dma_start3A_657 : memref<1x16x1024xf32, #tpu.memory_space<vmem>> -> memref<16x1024xf32, #tpu.memory_space<vmem>>
    %dma_start3A_659 = arith.constant 0 : i32
    %dma_start3A_660 = tpu.memref_slice %arg3[%add3A_652, %dma_start3A_659] : memref<8192x1024xf32, #tpu.memory_space<hbm>> -> memref<16x1024xf32, #tpu.memory_space<hbm>>
    %dma_start3A_661 = tpu.memref_slice %arg7[%dma_start3A_654] : memref<4x!tpu.dma_semaphore, #tpu.memory_space<semaphore_mem>> -> memref<1x!tpu.dma_semaphore, #tpu.memory_space<semaphore_mem>>
    %dma_start3A_662 = tpu.memref_squeeze %dma_start3A_661 : memref<1x!tpu.dma_semaphore, #tpu.memory_space<semaphore_mem>> -> memref<!tpu.dma_semaphore, #tpu.memory_space<semaphore_mem>>
    %dma_start3A_663 = arith.constant 0 : i32
    %dma_start3A_664 = tpu.memref_slice %arg3[%add3A_652, %dma_start3A_663] : memref<8192x1024xf32, #tpu.memory_space<hbm>> -> memref<16x1024xf32, #tpu.memory_space<hbm>>
    %dma_start3A_665 = arith.constant 0 : i32
    %dma_start3A_666 = arith.constant 0 : i32
    %dma_start3A_667 = tpu.memref_slice %arg4[%dma_start3A_653, %dma_start3A_665, %dma_start3A_666] : memref<4x16x1024xf32, #tpu.memory_space<vmem>> -> memref<1x16x1024xf32, #tpu.memory_space<vmem>>
    %dma_start3A_668 = tpu.memref_squeeze %dma_start3A_667 : memref<1x16x1024xf32, #tpu.memory_space<vmem>> -> memref<16x1024xf32, #tpu.memory_space<vmem>>
    tpu.enqueue_dma source(%dma_start3A_668 : memref<16x1024xf32, #tpu.memory_space<vmem>>) target(%dma_start3A_664 : memref<16x1024xf32, #tpu.memory_space<hbm>>) target_semaphore(%dma_start3A_662 : memref<!tpu.dma_semaphore, #tpu.memory_space<semaphore_mem>>)
    %dma_wait3A_669 = arith.constant 3 : i32
    %dma_wait3A_670 = arith.constant 3 : i32
    %dma_wait3A_671 = arith.constant 0 : i32
    %dma_wait3A_672 = arith.constant 0 : i32
    %dma_wait3A_673 = tpu.memref_slice %arg4[%dma_wait3A_669, %dma_wait3A_671, %dma_wait3A_672] : memref<4x16x1024xf32, #tpu.memory_space<vmem>> -> memref<1x16x1024xf32, #tpu.memory_space<vmem>>
    %dma_wait3A_674 = tpu.memref_squeeze %dma_wait3A_673 : memref<1x16x1024xf32, #tpu.memory_space<vmem>> -> memref<16x1024xf32, #tpu.memory_space<vmem>>
    %dma_wait3A_675 = arith.constant 0 : i32
    %dma_wait3A_676 = tpu.memref_slice %arg3[%add3A_316, %dma_wait3A_675] : memref<8192x1024xf32, #tpu.memory_space<hbm>> -> memref<16x1024xf32, #tpu.memory_space<hbm>>
    %dma_wait3A_677 = tpu.memref_slice %arg7[%dma_wait3A_670] : memref<4x!tpu.dma_semaphore, #tpu.memory_space<semaphore_mem>> -> memref<1x!tpu.dma_semaphore, #tpu.memory_space<semaphore_mem>>
    %dma_wait3A_678 = tpu.memref_squeeze %dma_wait3A_677 : memref<1x!tpu.dma_semaphore, #tpu.memory_space<semaphore_mem>> -> memref<!tpu.dma_semaphore, #tpu.memory_space<semaphore_mem>>
    %dma_wait3A_679 = arith.constant 0 : i32
    %dma_wait3A_680 = tpu.memref_slice %arg3[%add3A_316, %dma_wait3A_679] : memref<8192x1024xf32, #tpu.memory_space<hbm>> -> memref<16x1024xf32, #tpu.memory_space<hbm>>
    %dma_wait3A_681 = arith.constant 0 : i32
    %dma_wait3A_682 = arith.constant 0 : i32
    %dma_wait3A_683 = tpu.memref_slice %arg4[%dma_wait3A_669, %dma_wait3A_681, %dma_wait3A_682] : memref<4x16x1024xf32, #tpu.memory_space<vmem>> -> memref<1x16x1024xf32, #tpu.memory_space<vmem>>
    %dma_wait3A_684 = tpu.memref_squeeze %dma_wait3A_683 : memref<1x16x1024xf32, #tpu.memory_space<vmem>> -> memref<16x1024xf32, #tpu.memory_space<vmem>>
    tpu.wait_dma2 semaphore(%dma_wait3A_678 : memref<!tpu.dma_semaphore, #tpu.memory_space<semaphore_mem>>) src(%dma_wait3A_684 : memref<16x1024xf32, #tpu.memory_space<vmem>>) dst(%dma_wait3A_680 : memref<16x1024xf32, #tpu.memory_space<hbm>>)
    %add3A_685 = arith.constant 224 : i32
    %add3A_686 = arith.addi %mul3A_2, %add3A_685 : i32
    %dma_start3A_687 = arith.constant 3 : i32
    %dma_start3A_688 = arith.constant 3 : i32
    %dma_start3A_689 = arith.constant 0 : i32
    %dma_start3A_690 = arith.constant 0 : i32
    %dma_start3A_691 = tpu.memref_slice %arg4[%dma_start3A_687, %dma_start3A_689, %dma_start3A_690] : memref<4x16x1024xf32, #tpu.memory_space<vmem>> -> memref<1x16x1024xf32, #tpu.memory_space<vmem>>
    %dma_start3A_692 = tpu.memref_squeeze %dma_start3A_691 : memref<1x16x1024xf32, #tpu.memory_space<vmem>> -> memref<16x1024xf32, #tpu.memory_space<vmem>>
    %dma_start3A_693 = arith.constant 0 : i32
    %dma_start3A_694 = tpu.memref_slice %arg2[%add3A_686, %dma_start3A_693] : memref<8192x1024xf32, #tpu.memory_space<hbm>> -> memref<16x1024xf32, #tpu.memory_space<hbm>>
    %dma_start3A_695 = tpu.memref_slice %arg6[%dma_start3A_688] : memref<4x!tpu.dma_semaphore, #tpu.memory_space<semaphore_mem>> -> memref<1x!tpu.dma_semaphore, #tpu.memory_space<semaphore_mem>>
    %dma_start3A_696 = tpu.memref_squeeze %dma_start3A_695 : memref<1x!tpu.dma_semaphore, #tpu.memory_space<semaphore_mem>> -> memref<!tpu.dma_semaphore, #tpu.memory_space<semaphore_mem>>
    %dma_start3A_697 = arith.constant 0 : i32
    %dma_start3A_698 = arith.constant 0 : i32
    %dma_start3A_699 = tpu.memref_slice %arg4[%dma_start3A_687, %dma_start3A_697, %dma_start3A_698] : memref<4x16x1024xf32, #tpu.memory_space<vmem>> -> memref<1x16x1024xf32, #tpu.memory_space<vmem>>
    %dma_start3A_700 = tpu.memref_squeeze %dma_start3A_699 : memref<1x16x1024xf32, #tpu.memory_space<vmem>> -> memref<16x1024xf32, #tpu.memory_space<vmem>>
    %dma_start3A_701 = arith.constant 0 : i32
    %dma_start3A_702 = tpu.memref_slice %arg2[%add3A_686, %dma_start3A_701] : memref<8192x1024xf32, #tpu.memory_space<hbm>> -> memref<16x1024xf32, #tpu.memory_space<hbm>>
    tpu.enqueue_dma source(%dma_start3A_702 : memref<16x1024xf32, #tpu.memory_space<hbm>>) target(%dma_start3A_700 : memref<16x1024xf32, #tpu.memory_space<vmem>>) target_semaphore(%dma_start3A_696 : memref<!tpu.dma_semaphore, #tpu.memory_space<semaphore_mem>>)
    %dma_wait3A_703 = arith.constant 0 : i32
    %dma_wait3A_704 = arith.constant 0 : i32
    %dma_wait3A_705 = tpu.memref_slice %arg8[%dma_wait3A_704] : memref<3x!tpu.dma_semaphore, #tpu.memory_space<semaphore_mem>> -> memref<1x!tpu.dma_semaphore, #tpu.memory_space<semaphore_mem>>
    %dma_wait3A_706 = tpu.memref_squeeze %dma_wait3A_705 : memref<1x!tpu.dma_semaphore, #tpu.memory_space<semaphore_mem>> -> memref<!tpu.dma_semaphore, #tpu.memory_space<semaphore_mem>>
    %dma_wait3A_707 = arith.constant 0 : i32
    %dma_wait3A_708 = arith.constant 0 : i32
    %dma_wait3A_709 = tpu.memref_slice %arg5[%arg1, %dma_wait3A_703, %dma_wait3A_707, %dma_wait3A_708] : memref<16x3x16x1024xf32, #tpu.memory_space<vmem_shared>> -> memref<1x1x16x1024xf32, #tpu.memory_space<vmem_shared>>
    %dma_wait3A_710 = tpu.memref_squeeze %dma_wait3A_709 : memref<1x1x16x1024xf32, #tpu.memory_space<vmem_shared>> -> memref<16x1024xf32, #tpu.memory_space<vmem_shared>>
    %dma_wait3A_711 = arith.constant 0 : i32
    %dma_wait3A_712 = tpu.memref_slice %arg2[%add3A_624, %dma_wait3A_711] : memref<8192x1024xf32, #tpu.memory_space<hbm>> -> memref<16x1024xf32, #tpu.memory_space<hbm>>
    tpu.wait_dma2 semaphore(%dma_wait3A_706 : memref<!tpu.dma_semaphore, #tpu.memory_space<semaphore_mem>>) src(%dma_wait3A_712 : memref<16x1024xf32, #tpu.memory_space<hbm>>) dst(%dma_wait3A_710 : memref<16x1024xf32, #tpu.memory_space<vmem_shared>>)
    %add3A_713 = arith.constant 208 : i32
    %add3A_714 = arith.addi %mul3A_2, %add3A_713 : i32
    %dma_start3A_715 = arith.constant 0 : i32
    %dma_start3A_716 = arith.constant 0 : i32
    %dma_start3A_717 = tpu.memref_slice %arg9[%dma_start3A_716] : memref<3x!tpu.dma_semaphore, #tpu.memory_space<semaphore_mem>> -> memref<1x!tpu.dma_semaphore, #tpu.memory_space<semaphore_mem>>
    %dma_start3A_718 = tpu.memref_squeeze %dma_start3A_717 : memref<1x!tpu.dma_semaphore, #tpu.memory_space<semaphore_mem>> -> memref<!tpu.dma_semaphore, #tpu.memory_space<semaphore_mem>>
    %dma_start3A_719 = arith.constant 0 : i32
    %dma_start3A_720 = tpu.memref_slice %arg3[%add3A_714, %dma_start3A_719] : memref<8192x1024xf32, #tpu.memory_space<hbm>> -> memref<16x1024xf32, #tpu.memory_space<hbm>>
    %dma_start3A_721 = arith.constant 0 : i32
    %dma_start3A_722 = arith.constant 0 : i32
    %dma_start3A_723 = tpu.memref_slice %arg5[%arg1, %dma_start3A_715, %dma_start3A_721, %dma_start3A_722] : memref<16x3x16x1024xf32, #tpu.memory_space<vmem_shared>> -> memref<1x1x16x1024xf32, #tpu.memory_space<vmem_shared>>
    %dma_start3A_724 = tpu.memref_squeeze %dma_start3A_723 : memref<1x1x16x1024xf32, #tpu.memory_space<vmem_shared>> -> memref<16x1024xf32, #tpu.memory_space<vmem_shared>>
    tpu.enqueue_dma source(%dma_start3A_724 : memref<16x1024xf32, #tpu.memory_space<vmem_shared>>) target(%dma_start3A_720 : memref<16x1024xf32, #tpu.memory_space<hbm>>) target_semaphore(%dma_start3A_718 : memref<!tpu.dma_semaphore, #tpu.memory_space<semaphore_mem>>)
    %dma_wait3A_725 = arith.constant 1 : i32
    %dma_wait3A_726 = arith.constant 1 : i32
    %dma_wait3A_727 = tpu.memref_slice %arg9[%dma_wait3A_726] : memref<3x!tpu.dma_semaphore, #tpu.memory_space<semaphore_mem>> -> memref<1x!tpu.dma_semaphore, #tpu.memory_space<semaphore_mem>>
    %dma_wait3A_728 = tpu.memref_squeeze %dma_wait3A_727 : memref<1x!tpu.dma_semaphore, #tpu.memory_space<semaphore_mem>> -> memref<!tpu.dma_semaphore, #tpu.memory_space<semaphore_mem>>
    %dma_wait3A_729 = arith.constant 0 : i32
    %dma_wait3A_730 = tpu.memref_slice %arg3[%add3A_490, %dma_wait3A_729] : memref<8192x1024xf32, #tpu.memory_space<hbm>> -> memref<16x1024xf32, #tpu.memory_space<hbm>>
    %dma_wait3A_731 = arith.constant 0 : i32
    %dma_wait3A_732 = arith.constant 0 : i32
    %dma_wait3A_733 = tpu.memref_slice %arg5[%arg1, %dma_wait3A_725, %dma_wait3A_731, %dma_wait3A_732] : memref<16x3x16x1024xf32, #tpu.memory_space<vmem_shared>> -> memref<1x1x16x1024xf32, #tpu.memory_space<vmem_shared>>
    %dma_wait3A_734 = tpu.memref_squeeze %dma_wait3A_733 : memref<1x1x16x1024xf32, #tpu.memory_space<vmem_shared>> -> memref<16x1024xf32, #tpu.memory_space<vmem_shared>>
    tpu.wait_dma2 semaphore(%dma_wait3A_728 : memref<!tpu.dma_semaphore, #tpu.memory_space<semaphore_mem>>) src(%dma_wait3A_734 : memref<16x1024xf32, #tpu.memory_space<vmem_shared>>) dst(%dma_wait3A_730 : memref<16x1024xf32, #tpu.memory_space<hbm>>)
    %add3A_735 = arith.constant 240 : i32
    %add3A_736 = arith.addi %mul3A_2, %add3A_735 : i32
    %dma_start3A_737 = arith.constant 1 : i32
    %dma_start3A_738 = arith.constant 1 : i32
    %dma_start3A_739 = tpu.memref_slice %arg8[%dma_start3A_738] : memref<3x!tpu.dma_semaphore, #tpu.memory_space<semaphore_mem>> -> memref<1x!tpu.dma_semaphore, #tpu.memory_space<semaphore_mem>>
    %dma_start3A_740 = tpu.memref_squeeze %dma_start3A_739 : memref<1x!tpu.dma_semaphore, #tpu.memory_space<semaphore_mem>> -> memref<!tpu.dma_semaphore, #tpu.memory_space<semaphore_mem>>
    %dma_start3A_741 = arith.constant 0 : i32
    %dma_start3A_742 = arith.constant 0 : i32
    %dma_start3A_743 = tpu.memref_slice %arg5[%arg1, %dma_start3A_737, %dma_start3A_741, %dma_start3A_742] : memref<16x3x16x1024xf32, #tpu.memory_space<vmem_shared>> -> memref<1x1x16x1024xf32, #tpu.memory_space<vmem_shared>>
    %dma_start3A_744 = tpu.memref_squeeze %dma_start3A_743 : memref<1x1x16x1024xf32, #tpu.memory_space<vmem_shared>> -> memref<16x1024xf32, #tpu.memory_space<vmem_shared>>
    %dma_start3A_745 = arith.constant 0 : i32
    %dma_start3A_746 = tpu.memref_slice %arg2[%add3A_736, %dma_start3A_745] : memref<8192x1024xf32, #tpu.memory_space<hbm>> -> memref<16x1024xf32, #tpu.memory_space<hbm>>
    tpu.enqueue_dma source(%dma_start3A_746 : memref<16x1024xf32, #tpu.memory_space<hbm>>) target(%dma_start3A_744 : memref<16x1024xf32, #tpu.memory_space<vmem_shared>>) target_semaphore(%dma_start3A_740 : memref<!tpu.dma_semaphore, #tpu.memory_space<semaphore_mem>>)
    %dma_wait3A_747 = arith.constant 3 : i32
    %dma_wait3A_748 = arith.constant 3 : i32
    %dma_wait3A_749 = arith.constant 0 : i32
    %dma_wait3A_750 = arith.constant 0 : i32
    %dma_wait3A_751 = tpu.memref_slice %arg4[%dma_wait3A_747, %dma_wait3A_749, %dma_wait3A_750] : memref<4x16x1024xf32, #tpu.memory_space<vmem>> -> memref<1x16x1024xf32, #tpu.memory_space<vmem>>
    %dma_wait3A_752 = tpu.memref_squeeze %dma_wait3A_751 : memref<1x16x1024xf32, #tpu.memory_space<vmem>> -> memref<16x1024xf32, #tpu.memory_space<vmem>>
    %dma_wait3A_753 = arith.constant 0 : i32
    %dma_wait3A_754 = tpu.memref_slice %arg2[%add3A_686, %dma_wait3A_753] : memref<8192x1024xf32, #tpu.memory_space<hbm>> -> memref<16x1024xf32, #tpu.memory_space<hbm>>
    %dma_wait3A_755 = tpu.memref_slice %arg6[%dma_wait3A_748] : memref<4x!tpu.dma_semaphore, #tpu.memory_space<semaphore_mem>> -> memref<1x!tpu.dma_semaphore, #tpu.memory_space<semaphore_mem>>
    %dma_wait3A_756 = tpu.memref_squeeze %dma_wait3A_755 : memref<1x!tpu.dma_semaphore, #tpu.memory_space<semaphore_mem>> -> memref<!tpu.dma_semaphore, #tpu.memory_space<semaphore_mem>>
    %dma_wait3A_757 = arith.constant 0 : i32
    %dma_wait3A_758 = arith.constant 0 : i32
    %dma_wait3A_759 = tpu.memref_slice %arg4[%dma_wait3A_747, %dma_wait3A_757, %dma_wait3A_758] : memref<4x16x1024xf32, #tpu.memory_space<vmem>> -> memref<1x16x1024xf32, #tpu.memory_space<vmem>>
    %dma_wait3A_760 = tpu.memref_squeeze %dma_wait3A_759 : memref<1x16x1024xf32, #tpu.memory_space<vmem>> -> memref<16x1024xf32, #tpu.memory_space<vmem>>
    %dma_wait3A_761 = arith.constant 0 : i32
    %dma_wait3A_762 = tpu.memref_slice %arg2[%add3A_686, %dma_wait3A_761] : memref<8192x1024xf32, #tpu.memory_space<hbm>> -> memref<16x1024xf32, #tpu.memory_space<hbm>>
    tpu.wait_dma2 semaphore(%dma_wait3A_756 : memref<!tpu.dma_semaphore, #tpu.memory_space<semaphore_mem>>) src(%dma_wait3A_762 : memref<16x1024xf32, #tpu.memory_space<hbm>>) dst(%dma_wait3A_760 : memref<16x1024xf32, #tpu.memory_space<vmem>>)
    %add3A_763 = arith.constant 224 : i32
    %add3A_764 = arith.addi %mul3A_2, %add3A_763 : i32
    %dma_start3A_765 = arith.constant 3 : i32
    %dma_start3A_766 = arith.constant 3 : i32
    %dma_start3A_767 = arith.constant 0 : i32
    %dma_start3A_768 = arith.constant 0 : i32
    %dma_start3A_769 = tpu.memref_slice %arg4[%dma_start3A_765, %dma_start3A_767, %dma_start3A_768] : memref<4x16x1024xf32, #tpu.memory_space<vmem>> -> memref<1x16x1024xf32, #tpu.memory_space<vmem>>
    %dma_start3A_770 = tpu.memref_squeeze %dma_start3A_769 : memref<1x16x1024xf32, #tpu.memory_space<vmem>> -> memref<16x1024xf32, #tpu.memory_space<vmem>>
    %dma_start3A_771 = arith.constant 0 : i32
    %dma_start3A_772 = tpu.memref_slice %arg3[%add3A_764, %dma_start3A_771] : memref<8192x1024xf32, #tpu.memory_space<hbm>> -> memref<16x1024xf32, #tpu.memory_space<hbm>>
    %dma_start3A_773 = tpu.memref_slice %arg7[%dma_start3A_766] : memref<4x!tpu.dma_semaphore, #tpu.memory_space<semaphore_mem>> -> memref<1x!tpu.dma_semaphore, #tpu.memory_space<semaphore_mem>>
    %dma_start3A_774 = tpu.memref_squeeze %dma_start3A_773 : memref<1x!tpu.dma_semaphore, #tpu.memory_space<semaphore_mem>> -> memref<!tpu.dma_semaphore, #tpu.memory_space<semaphore_mem>>
    %dma_start3A_775 = arith.constant 0 : i32
    %dma_start3A_776 = tpu.memref_slice %arg3[%add3A_764, %dma_start3A_775] : memref<8192x1024xf32, #tpu.memory_space<hbm>> -> memref<16x1024xf32, #tpu.memory_space<hbm>>
    %dma_start3A_777 = arith.constant 0 : i32
    %dma_start3A_778 = arith.constant 0 : i32
    %dma_start3A_779 = tpu.memref_slice %arg4[%dma_start3A_765, %dma_start3A_777, %dma_start3A_778] : memref<4x16x1024xf32, #tpu.memory_space<vmem>> -> memref<1x16x1024xf32, #tpu.memory_space<vmem>>
    %dma_start3A_780 = tpu.memref_squeeze %dma_start3A_779 : memref<1x16x1024xf32, #tpu.memory_space<vmem>> -> memref<16x1024xf32, #tpu.memory_space<vmem>>
    tpu.enqueue_dma source(%dma_start3A_780 : memref<16x1024xf32, #tpu.memory_space<vmem>>) target(%dma_start3A_776 : memref<16x1024xf32, #tpu.memory_space<hbm>>) target_semaphore(%dma_start3A_774 : memref<!tpu.dma_semaphore, #tpu.memory_space<semaphore_mem>>)
    %dma_wait3A_781 = arith.constant 1 : i32
    %dma_wait3A_782 = arith.constant 1 : i32
    %dma_wait3A_783 = tpu.memref_slice %arg8[%dma_wait3A_782] : memref<3x!tpu.dma_semaphore, #tpu.memory_space<semaphore_mem>> -> memref<1x!tpu.dma_semaphore, #tpu.memory_space<semaphore_mem>>
    %dma_wait3A_784 = tpu.memref_squeeze %dma_wait3A_783 : memref<1x!tpu.dma_semaphore, #tpu.memory_space<semaphore_mem>> -> memref<!tpu.dma_semaphore, #tpu.memory_space<semaphore_mem>>
    %dma_wait3A_785 = arith.constant 0 : i32
    %dma_wait3A_786 = arith.constant 0 : i32
    %dma_wait3A_787 = tpu.memref_slice %arg5[%arg1, %dma_wait3A_781, %dma_wait3A_785, %dma_wait3A_786] : memref<16x3x16x1024xf32, #tpu.memory_space<vmem_shared>> -> memref<1x1x16x1024xf32, #tpu.memory_space<vmem_shared>>
    %dma_wait3A_788 = tpu.memref_squeeze %dma_wait3A_787 : memref<1x1x16x1024xf32, #tpu.memory_space<vmem_shared>> -> memref<16x1024xf32, #tpu.memory_space<vmem_shared>>
    %dma_wait3A_789 = arith.constant 0 : i32
    %dma_wait3A_790 = tpu.memref_slice %arg2[%add3A_736, %dma_wait3A_789] : memref<8192x1024xf32, #tpu.memory_space<hbm>> -> memref<16x1024xf32, #tpu.memory_space<hbm>>
    tpu.wait_dma2 semaphore(%dma_wait3A_784 : memref<!tpu.dma_semaphore, #tpu.memory_space<semaphore_mem>>) src(%dma_wait3A_790 : memref<16x1024xf32, #tpu.memory_space<hbm>>) dst(%dma_wait3A_788 : memref<16x1024xf32, #tpu.memory_space<vmem_shared>>)
    %add3A_791 = arith.constant 240 : i32
    %add3A_792 = arith.addi %mul3A_2, %add3A_791 : i32
    %dma_start3A_793 = arith.constant 1 : i32
    %dma_start3A_794 = arith.constant 1 : i32
    %dma_start3A_795 = tpu.memref_slice %arg9[%dma_start3A_794] : memref<3x!tpu.dma_semaphore, #tpu.memory_space<semaphore_mem>> -> memref<1x!tpu.dma_semaphore, #tpu.memory_space<semaphore_mem>>
    %dma_start3A_796 = tpu.memref_squeeze %dma_start3A_795 : memref<1x!tpu.dma_semaphore, #tpu.memory_space<semaphore_mem>> -> memref<!tpu.dma_semaphore, #tpu.memory_space<semaphore_mem>>
    %dma_start3A_797 = arith.constant 0 : i32
    %dma_start3A_798 = tpu.memref_slice %arg3[%add3A_792, %dma_start3A_797] : memref<8192x1024xf32, #tpu.memory_space<hbm>> -> memref<16x1024xf32, #tpu.memory_space<hbm>>
    %dma_start3A_799 = arith.constant 0 : i32
    %dma_start3A_800 = arith.constant 0 : i32
    %dma_start3A_801 = tpu.memref_slice %arg5[%arg1, %dma_start3A_793, %dma_start3A_799, %dma_start3A_800] : memref<16x3x16x1024xf32, #tpu.memory_space<vmem_shared>> -> memref<1x1x16x1024xf32, #tpu.memory_space<vmem_shared>>
    %dma_start3A_802 = tpu.memref_squeeze %dma_start3A_801 : memref<1x1x16x1024xf32, #tpu.memory_space<vmem_shared>> -> memref<16x1024xf32, #tpu.memory_space<vmem_shared>>
    tpu.enqueue_dma source(%dma_start3A_802 : memref<16x1024xf32, #tpu.memory_space<vmem_shared>>) target(%dma_start3A_798 : memref<16x1024xf32, #tpu.memory_space<hbm>>) target_semaphore(%dma_start3A_796 : memref<!tpu.dma_semaphore, #tpu.memory_space<semaphore_mem>>)
    %dma_wait3A_803 = arith.constant 0 : i32
    %dma_wait3A_804 = arith.constant 0 : i32
    %dma_wait3A_805 = arith.constant 0 : i32
    %dma_wait3A_806 = arith.constant 0 : i32
    %dma_wait3A_807 = tpu.memref_slice %arg4[%dma_wait3A_803, %dma_wait3A_805, %dma_wait3A_806] : memref<4x16x1024xf32, #tpu.memory_space<vmem>> -> memref<1x16x1024xf32, #tpu.memory_space<vmem>>
    %dma_wait3A_808 = tpu.memref_squeeze %dma_wait3A_807 : memref<1x16x1024xf32, #tpu.memory_space<vmem>> -> memref<16x1024xf32, #tpu.memory_space<vmem>>
    %dma_wait3A_809 = arith.constant 0 : i32
    %dma_wait3A_810 = tpu.memref_slice %arg3[%add3A_428, %dma_wait3A_809] : memref<8192x1024xf32, #tpu.memory_space<hbm>> -> memref<16x1024xf32, #tpu.memory_space<hbm>>
    %dma_wait3A_811 = tpu.memref_slice %arg7[%dma_wait3A_804] : memref<4x!tpu.dma_semaphore, #tpu.memory_space<semaphore_mem>> -> memref<1x!tpu.dma_semaphore, #tpu.memory_space<semaphore_mem>>
    %dma_wait3A_812 = tpu.memref_squeeze %dma_wait3A_811 : memref<1x!tpu.dma_semaphore, #tpu.memory_space<semaphore_mem>> -> memref<!tpu.dma_semaphore, #tpu.memory_space<semaphore_mem>>
    %dma_wait3A_813 = arith.constant 0 : i32
    %dma_wait3A_814 = tpu.memref_slice %arg3[%add3A_428, %dma_wait3A_813] : memref<8192x1024xf32, #tpu.memory_space<hbm>> -> memref<16x1024xf32, #tpu.memory_space<hbm>>
    %dma_wait3A_815 = arith.constant 0 : i32
    %dma_wait3A_816 = arith.constant 0 : i32
    %dma_wait3A_817 = tpu.memref_slice %arg4[%dma_wait3A_803, %dma_wait3A_815, %dma_wait3A_816] : memref<4x16x1024xf32, #tpu.memory_space<vmem>> -> memref<1x16x1024xf32, #tpu.memory_space<vmem>>
    %dma_wait3A_818 = tpu.memref_squeeze %dma_wait3A_817 : memref<1x16x1024xf32, #tpu.memory_space<vmem>> -> memref<16x1024xf32, #tpu.memory_space<vmem>>
    tpu.wait_dma2 semaphore(%dma_wait3A_812 : memref<!tpu.dma_semaphore, #tpu.memory_space<semaphore_mem>>) src(%dma_wait3A_818 : memref<16x1024xf32, #tpu.memory_space<vmem>>) dst(%dma_wait3A_814 : memref<16x1024xf32, #tpu.memory_space<hbm>>)
    %dma_wait3A_819 = arith.constant 1 : i32
    %dma_wait3A_820 = arith.constant 1 : i32
    %dma_wait3A_821 = arith.constant 0 : i32
    %dma_wait3A_822 = arith.constant 0 : i32
    %dma_wait3A_823 = tpu.memref_slice %arg4[%dma_wait3A_819, %dma_wait3A_821, %dma_wait3A_822] : memref<4x16x1024xf32, #tpu.memory_space<vmem>> -> memref<1x16x1024xf32, #tpu.memory_space<vmem>>
    %dma_wait3A_824 = tpu.memref_squeeze %dma_wait3A_823 : memref<1x16x1024xf32, #tpu.memory_space<vmem>> -> memref<16x1024xf32, #tpu.memory_space<vmem>>
    %dma_wait3A_825 = arith.constant 0 : i32
    %dma_wait3A_826 = tpu.memref_slice %arg3[%add3A_540, %dma_wait3A_825] : memref<8192x1024xf32, #tpu.memory_space<hbm>> -> memref<16x1024xf32, #tpu.memory_space<hbm>>
    %dma_wait3A_827 = tpu.memref_slice %arg7[%dma_wait3A_820] : memref<4x!tpu.dma_semaphore, #tpu.memory_space<semaphore_mem>> -> memref<1x!tpu.dma_semaphore, #tpu.memory_space<semaphore_mem>>
    %dma_wait3A_828 = tpu.memref_squeeze %dma_wait3A_827 : memref<1x!tpu.dma_semaphore, #tpu.memory_space<semaphore_mem>> -> memref<!tpu.dma_semaphore, #tpu.memory_space<semaphore_mem>>
    %dma_wait3A_829 = arith.constant 0 : i32
    %dma_wait3A_830 = tpu.memref_slice %arg3[%add3A_540, %dma_wait3A_829] : memref<8192x1024xf32, #tpu.memory_space<hbm>> -> memref<16x1024xf32, #tpu.memory_space<hbm>>
    %dma_wait3A_831 = arith.constant 0 : i32
    %dma_wait3A_832 = arith.constant 0 : i32
    %dma_wait3A_833 = tpu.memref_slice %arg4[%dma_wait3A_819, %dma_wait3A_831, %dma_wait3A_832] : memref<4x16x1024xf32, #tpu.memory_space<vmem>> -> memref<1x16x1024xf32, #tpu.memory_space<vmem>>
    %dma_wait3A_834 = tpu.memref_squeeze %dma_wait3A_833 : memref<1x16x1024xf32, #tpu.memory_space<vmem>> -> memref<16x1024xf32, #tpu.memory_space<vmem>>
    tpu.wait_dma2 semaphore(%dma_wait3A_828 : memref<!tpu.dma_semaphore, #tpu.memory_space<semaphore_mem>>) src(%dma_wait3A_834 : memref<16x1024xf32, #tpu.memory_space<vmem>>) dst(%dma_wait3A_830 : memref<16x1024xf32, #tpu.memory_space<hbm>>)
    %dma_wait3A_835 = arith.constant 2 : i32
    %dma_wait3A_836 = arith.constant 2 : i32
    %dma_wait3A_837 = tpu.memref_slice %arg9[%dma_wait3A_836] : memref<3x!tpu.dma_semaphore, #tpu.memory_space<semaphore_mem>> -> memref<1x!tpu.dma_semaphore, #tpu.memory_space<semaphore_mem>>
    %dma_wait3A_838 = tpu.memref_squeeze %dma_wait3A_837 : memref<1x!tpu.dma_semaphore, #tpu.memory_space<semaphore_mem>> -> memref<!tpu.dma_semaphore, #tpu.memory_space<semaphore_mem>>
    %dma_wait3A_839 = arith.constant 0 : i32
    %dma_wait3A_840 = tpu.memref_slice %arg3[%add3A_602, %dma_wait3A_839] : memref<8192x1024xf32, #tpu.memory_space<hbm>> -> memref<16x1024xf32, #tpu.memory_space<hbm>>
    %dma_wait3A_841 = arith.constant 0 : i32
    %dma_wait3A_842 = arith.constant 0 : i32
    %dma_wait3A_843 = tpu.memref_slice %arg5[%arg1, %dma_wait3A_835, %dma_wait3A_841, %dma_wait3A_842] : memref<16x3x16x1024xf32, #tpu.memory_space<vmem_shared>> -> memref<1x1x16x1024xf32, #tpu.memory_space<vmem_shared>>
    %dma_wait3A_844 = tpu.memref_squeeze %dma_wait3A_843 : memref<1x1x16x1024xf32, #tpu.memory_space<vmem_shared>> -> memref<16x1024xf32, #tpu.memory_space<vmem_shared>>
    tpu.wait_dma2 semaphore(%dma_wait3A_838 : memref<!tpu.dma_semaphore, #tpu.memory_space<semaphore_mem>>) src(%dma_wait3A_844 : memref<16x1024xf32, #tpu.memory_space<vmem_shared>>) dst(%dma_wait3A_840 : memref<16x1024xf32, #tpu.memory_space<hbm>>)
    %dma_wait3A_845 = arith.constant 2 : i32
    %dma_wait3A_846 = arith.constant 2 : i32
    %dma_wait3A_847 = arith.constant 0 : i32
    %dma_wait3A_848 = arith.constant 0 : i32
    %dma_wait3A_849 = tpu.memref_slice %arg4[%dma_wait3A_845, %dma_wait3A_847, %dma_wait3A_848] : memref<4x16x1024xf32, #tpu.memory_space<vmem>> -> memref<1x16x1024xf32, #tpu.memory_space<vmem>>
    %dma_wait3A_850 = tpu.memref_squeeze %dma_wait3A_849 : memref<1x16x1024xf32, #tpu.memory_space<vmem>> -> memref<16x1024xf32, #tpu.memory_space<vmem>>
    %dma_wait3A_851 = arith.constant 0 : i32
    %dma_wait3A_852 = tpu.memref_slice %arg3[%add3A_652, %dma_wait3A_851] : memref<8192x1024xf32, #tpu.memory_space<hbm>> -> memref<16x1024xf32, #tpu.memory_space<hbm>>
    %dma_wait3A_853 = tpu.memref_slice %arg7[%dma_wait3A_846] : memref<4x!tpu.dma_semaphore, #tpu.memory_space<semaphore_mem>> -> memref<1x!tpu.dma_semaphore, #tpu.memory_space<semaphore_mem>>
    %dma_wait3A_854 = tpu.memref_squeeze %dma_wait3A_853 : memref<1x!tpu.dma_semaphore, #tpu.memory_space<semaphore_mem>> -> memref<!tpu.dma_semaphore, #tpu.memory_space<semaphore_mem>>
    %dma_wait3A_855 = arith.constant 0 : i32
    %dma_wait3A_856 = tpu.memref_slice %arg3[%add3A_652, %dma_wait3A_855] : memref<8192x1024xf32, #tpu.memory_space<hbm>> -> memref<16x1024xf32, #tpu.memory_space<hbm>>
    %dma_wait3A_857 = arith.constant 0 : i32
    %dma_wait3A_858 = arith.constant 0 : i32
    %dma_wait3A_859 = tpu.memref_slice %arg4[%dma_wait3A_845, %dma_wait3A_857, %dma_wait3A_858] : memref<4x16x1024xf32, #tpu.memory_space<vmem>> -> memref<1x16x1024xf32, #tpu.memory_space<vmem>>
    %dma_wait3A_860 = tpu.memref_squeeze %dma_wait3A_859 : memref<1x16x1024xf32, #tpu.memory_space<vmem>> -> memref<16x1024xf32, #tpu.memory_space<vmem>>
    tpu.wait_dma2 semaphore(%dma_wait3A_854 : memref<!tpu.dma_semaphore, #tpu.memory_space<semaphore_mem>>) src(%dma_wait3A_860 : memref<16x1024xf32, #tpu.memory_space<vmem>>) dst(%dma_wait3A_856 : memref<16x1024xf32, #tpu.memory_space<hbm>>)
    %dma_wait3A_861 = arith.constant 0 : i32
    %dma_wait3A_862 = arith.constant 0 : i32
    %dma_wait3A_863 = tpu.memref_slice %arg9[%dma_wait3A_862] : memref<3x!tpu.dma_semaphore, #tpu.memory_space<semaphore_mem>> -> memref<1x!tpu.dma_semaphore, #tpu.memory_space<semaphore_mem>>
    %dma_wait3A_864 = tpu.memref_squeeze %dma_wait3A_863 : memref<1x!tpu.dma_semaphore, #tpu.memory_space<semaphore_mem>> -> memref<!tpu.dma_semaphore, #tpu.memory_space<semaphore_mem>>
    %dma_wait3A_865 = arith.constant 0 : i32
    %dma_wait3A_866 = tpu.memref_slice %arg3[%add3A_714, %dma_wait3A_865] : memref<8192x1024xf32, #tpu.memory_space<hbm>> -> memref<16x1024xf32, #tpu.memory_space<hbm>>
    %dma_wait3A_867 = arith.constant 0 : i32
    %dma_wait3A_868 = arith.constant 0 : i32
    %dma_wait3A_869 = tpu.memref_slice %arg5[%arg1, %dma_wait3A_861, %dma_wait3A_867, %dma_wait3A_868] : memref<16x3x16x1024xf32, #tpu.memory_space<vmem_shared>> -> memref<1x1x16x1024xf32, #tpu.memory_space<vmem_shared>>
    %dma_wait3A_870 = tpu.memref_squeeze %dma_wait3A_869 : memref<1x1x16x1024xf32, #tpu.memory_space<vmem_shared>> -> memref<16x1024xf32, #tpu.memory_space<vmem_shared>>
    tpu.wait_dma2 semaphore(%dma_wait3A_864 : memref<!tpu.dma_semaphore, #tpu.memory_space<semaphore_mem>>) src(%dma_wait3A_870 : memref<16x1024xf32, #tpu.memory_space<vmem_shared>>) dst(%dma_wait3A_866 : memref<16x1024xf32, #tpu.memory_space<hbm>>)
    %dma_wait3A_871 = arith.constant 3 : i32
    %dma_wait3A_872 = arith.constant 3 : i32
    %dma_wait3A_873 = arith.constant 0 : i32
    %dma_wait3A_874 = arith.constant 0 : i32
    %dma_wait3A_875 = tpu.memref_slice %arg4[%dma_wait3A_871, %dma_wait3A_873, %dma_wait3A_874] : memref<4x16x1024xf32, #tpu.memory_space<vmem>> -> memref<1x16x1024xf32, #tpu.memory_space<vmem>>
    %dma_wait3A_876 = tpu.memref_squeeze %dma_wait3A_875 : memref<1x16x1024xf32, #tpu.memory_space<vmem>> -> memref<16x1024xf32, #tpu.memory_space<vmem>>
    %dma_wait3A_877 = arith.constant 0 : i32
    %dma_wait3A_878 = tpu.memref_slice %arg3[%add3A_764, %dma_wait3A_877] : memref<8192x1024xf32, #tpu.memory_space<hbm>> -> memref<16x1024xf32, #tpu.memory_space<hbm>>
    %dma_wait3A_879 = tpu.memref_slice %arg7[%dma_wait3A_872] : memref<4x!tpu.dma_semaphore, #tpu.memory_space<semaphore_mem>> -> memref<1x!tpu.dma_semaphore, #tpu.memory_space<semaphore_mem>>
    %dma_wait3A_880 = tpu.memref_squeeze %dma_wait3A_879 : memref<1x!tpu.dma_semaphore, #tpu.memory_space<semaphore_mem>> -> memref<!tpu.dma_semaphore, #tpu.memory_space<semaphore_mem>>
    %dma_wait3A_881 = arith.constant 0 : i32
    %dma_wait3A_882 = tpu.memref_slice %arg3[%add3A_764, %dma_wait3A_881] : memref<8192x1024xf32, #tpu.memory_space<hbm>> -> memref<16x1024xf32, #tpu.memory_space<hbm>>
    %dma_wait3A_883 = arith.constant 0 : i32
    %dma_wait3A_884 = arith.constant 0 : i32
    %dma_wait3A_885 = tpu.memref_slice %arg4[%dma_wait3A_871, %dma_wait3A_883, %dma_wait3A_884] : memref<4x16x1024xf32, #tpu.memory_space<vmem>> -> memref<1x16x1024xf32, #tpu.memory_space<vmem>>
    %dma_wait3A_886 = tpu.memref_squeeze %dma_wait3A_885 : memref<1x16x1024xf32, #tpu.memory_space<vmem>> -> memref<16x1024xf32, #tpu.memory_space<vmem>>
    tpu.wait_dma2 semaphore(%dma_wait3A_880 : memref<!tpu.dma_semaphore, #tpu.memory_space<semaphore_mem>>) src(%dma_wait3A_886 : memref<16x1024xf32, #tpu.memory_space<vmem>>) dst(%dma_wait3A_882 : memref<16x1024xf32, #tpu.memory_space<hbm>>)
    %dma_wait3A_887 = arith.constant 1 : i32
    %dma_wait3A_888 = arith.constant 1 : i32
    %dma_wait3A_889 = tpu.memref_slice %arg9[%dma_wait3A_888] : memref<3x!tpu.dma_semaphore, #tpu.memory_space<semaphore_mem>> -> memref<1x!tpu.dma_semaphore, #tpu.memory_space<semaphore_mem>>
    %dma_wait3A_890 = tpu.memref_squeeze %dma_wait3A_889 : memref<1x!tpu.dma_semaphore, #tpu.memory_space<semaphore_mem>> -> memref<!tpu.dma_semaphore, #tpu.memory_space<semaphore_mem>>
    %dma_wait3A_891 = arith.constant 0 : i32
    %dma_wait3A_892 = tpu.memref_slice %arg3[%add3A_792, %dma_wait3A_891] : memref<8192x1024xf32, #tpu.memory_space<hbm>> -> memref<16x1024xf32, #tpu.memory_space<hbm>>
    %dma_wait3A_893 = arith.constant 0 : i32
    %dma_wait3A_894 = arith.constant 0 : i32
    %dma_wait3A_895 = tpu.memref_slice %arg5[%arg1, %dma_wait3A_887, %dma_wait3A_893, %dma_wait3A_894] : memref<16x3x16x1024xf32, #tpu.memory_space<vmem_shared>> -> memref<1x1x16x1024xf32, #tpu.memory_space<vmem_shared>>
    %dma_wait3A_896 = tpu.memref_squeeze %dma_wait3A_895 : memref<1x1x16x1024xf32, #tpu.memory_space<vmem_shared>> -> memref<16x1024xf32, #tpu.memory_space<vmem_shared>>
    tpu.wait_dma2 semaphore(%dma_wait3A_890 : memref<!tpu.dma_semaphore, #tpu.memory_space<semaphore_mem>>) src(%dma_wait3A_896 : memref<16x1024xf32, #tpu.memory_space<vmem_shared>>) dst(%dma_wait3A_892 : memref<16x1024xf32, #tpu.memory_space<hbm>>)
    return
  }
}

</mosaic_0001>

<sc_bundles>
// kernel: kernel.3.cloned.1.call-start
scs
__scs_entry_jumppad:
0x0: {  	(pc) =	sbr.rel $0x88, $3  }
0x1: {  	(tag) =	ssettag $0x0;
	lr =	simm.s32 $0x1  }
0x2: {  	[smem:$0x3FA0] =	sst lr;
	_ =	strace $0xD0000000  }
0x3: {  	_ = 	snop  }
0x4: {  	_ = 	snop  }
0x5: {  	_ = 	snop  }
0x6: {  	_ = 	snop  }
0x7: {  	_ = 	snop  }
__scs_overlays_trampoline_lowered:
0x8: {  	[smem:$0x3FAF] =	sst s0  }
0x9: {  	[smem:$0x3FB0] =	sst s1  }
0xa: {  	[smem:$0x3FB1] =	sst s2  }
0xb: {  	[smem:$0x3FB2] =	sst s3  }
0xc: {  	[smem:$0x3FB3] =	sst s4  }
0xd: {  	[smem:$0x3FB4] =	sst s5  }
0xe: {  	[smem:$0x3FB5] =	sst s6  }
0xf: {  	[smem:$0x3FB6] =	sst s7  }
0x10: {  	[smem:$0x3FB7] =	sst s8  }
0x11: {  	[smem:$0x3FB8] =	sst s9;
	s0 =	simm.s32 @!p0 $0x0  }
0x12: {  	s1 =	sld [smem:$0x3F9E];
	s0 =	simm.s32 @p0 $0x1  }
0x13: {  	[smem:$0x3FB9] =	sst s0;
	s0 =	simm.s32 @!p1 $0x0  }
0x14: {  	s2 =	sld [smem:$0x3F9D];
	s0 =	simm.s32 @p1 $0x1  }
0x15: {  	[smem:$0x3FBA] =	sst s0;
	s0 =	simm.s32 @!p2 $0x0  }
0x16: {  	s3 =	sld [smem:$0x3FDB];
	s0 =	simm.s32 @p2 $0x1  }
0x17: {  	s4 =	simm.s32 $0x1BF5;
	[smem:$0x3FBC] =	sst s0  }
0x18: {  	s0 =	sld [smem:$0x3F9F];
	_ =	swait.ge [sflag:s4], $0x0  }
0x19: {  	s7 =	sld [smem:$0x3FA0]  }
0x1a: {  	s8 =	sadd.s32 $0xFFFFE003, lr  }
0x1b: {  	s9 =	sadd.s32 $0xFFFFFEF7, lr;
	s5 =	simm.s32 $0xFFFFFFFF;
	p2 =	slt.u32 s8, $0xFFFFF086  }
0x1c: {  	p1 =	slt.u32 s9, $0xF7A;
	s5 =	simm.s32 @!p2 $0x0  }
0x1d: {  	s5 =	simm.s32 @p1 $0x1;
	p0 =	seq.s32 s7, s2  }
0x1e: {  	s7 =	smul.u32 @!p0 $0xF7A, s2;
	p2 =	seq.s32 @!p0 s5, $0x0  }
0x1f: {  	s9 =	smul.u32 $0xF7A, s1;
	s8 =	simm.s32 @!p0 $0x1BF5;
	p2 =	por !p2, p0  }
0x20: {  	[sflag:s8] =	ssyncset.s32 @!p0 $0xFFFFF086;
	s6 =	sadd.s32 @!p0 s3, s7;
	s7 =	simm.s32 @!p0 $0x108  }
0x21: {  	s3 =	sadd.s32 s3, s9;
	s6 =	sadd.s32 @!p0 $0x88, s6;
	s7 =	simm.s32 @p2 $0x1082  }
0x22: {  	[simem:s7], [sflag:s8] =	dma.local @!p0 [hbm:s6], $0xF7A  }
0x23: {  	s9 =	sor.u32 $0xD0000000, s2;
	s6 =	simm.s32 $0x108;
	_ =	swait.ge @!p0 [sflag:s8], $0x0  }
0x24: {  	s3 =	sadd.s32 $0x88, s3;
	s6 =	simm.s32 @!p1 $0x1082;
	[sflag:s4] =	ssyncset.s32 $0xFFFFF086  }
0x25: {  	[simem:s6], [sflag:s4] =	dma.local [hbm:s3], $0xF7A  }
0x26: {  	[smem:$0x3FA0] =	sst s1;
	(tag) =	ssettag s2;
	_ =	strace s9  }
0x27: {  	s1 =	sld [smem:$0x3FB0]  }
0x28: {  	s2 =	sld [smem:$0x3FB1]  }
0x29: {  	s4 =	sld [smem:$0x3FB3]  }
0x2a: {  	p0 =	seq.s32 s5, $0x0;
	s5 =	sld [smem:$0x3FB4]  }
0x2b: {  	s6 =	sld [smem:$0x3FB5]  }
0x2c: {  	s7 =	sld [smem:$0x3FB6]  }
0x2d: {  	s3 =	simm.s32 $0x108;
	s8 =	sld [smem:$0x3FB7]  }
0x2e: {  	s3 =	simm.s32 @!p0 $0x1082;
	s9 =	sld [smem:$0x3FB8]  }
0x2f: {  	lr =	sadd.s32 s0, s3;
	s0 =	sld [smem:$0x3FAF]  }
0x30: {  	s3 =	sld [smem:$0x3FB2]  }
0x31: {  	[smem:$0x3FBB] =	sst s10  }
0x32: {  	s10 =	sld [smem:$0x3FB9];
	_ =	sdelay $0x3  }
0x33: {  	p0 =	seq.s32 s10, $0x1;
	s10 =	sld [smem:$0x3FBB];
	_ =	sdelay $0x3  }
0x34: {  	[smem:$0x3FBB] =	sst s10  }
0x35: {  	s10 =	sld [smem:$0x3FBA];
	_ =	sdelay $0x3  }
0x36: {  	p1 =	seq.s32 s10, $0x1;
	s10 =	sld [smem:$0x3FBB];
	_ =	sdelay $0x3  }
0x37: {  	[smem:$0x3FBB] =	sst s10  }
0x38: {  	s10 =	sld [smem:$0x3FBC]  }
0x39: {  	_ = 	snop;
	(pc) =	sbr.ind lr, $3  }
0x3a: {  	_ = 	snop  }
0x3b: {  	_ = 	snop  }
0x3c: {  	p2 =	seq.s32 s10, $0x1;
	s10 =	sld [smem:$0x3FBB]  }
0x3d: {  	_ =	shalt  }
0x3e: {  	_ =	shalt  }
0x3f: {  	_ =	shalt  }
0x40: {  	_ =	shalt  }
0x41: {  	_ =	shalt  }
0x42: {  	_ =	shalt  }
0x43: {  	_ =	shalt  }
0x44: {  	_ =	shalt  }
0x45: {  	_ =	shalt  }
0x46: {  	_ =	shalt  }
0x47: {  	_ =	shalt  }
0x48: {  	_ =	shalt  }
0x49: {  	_ =	shalt  }
0x4a: {  	_ =	shalt  }
0x4b: {  	_ =	shalt  }
0x4c: {  	_ =	shalt  }
0x4d: {  	_ =	shalt  }
0x4e: {  	_ =	shalt  }
0x4f: {  	_ =	shalt  }
0x50: {  	_ =	shalt  }
0x51: {  	_ =	shalt  }
0x52: {  	_ =	shalt  }
0x53: {  	_ =	shalt  }
0x54: {  	_ =	shalt  }
0x55: {  	_ =	shalt  }
0x56: {  	_ =	shalt  }
0x57: {  	_ =	shalt  }
0x58: {  	_ =	shalt  }
0x59: {  	_ =	shalt  }
0x5a: {  	_ =	shalt  }
0x5b: {  	_ =	shalt  }
0x5c: {  	_ =	shalt  }
0x5d: {  	_ =	shalt  }
0x5e: {  	_ =	shalt  }
0x5f: {  	_ =	shalt  }
0x60: {  	_ =	shalt  }
0x61: {  	_ =	shalt  }
0x62: {  	_ =	shalt  }
0x63: {  	_ =	shalt  }
0x64: {  	_ =	shalt  }
0x65: {  	_ =	shalt  }
0x66: {  	_ =	shalt  }
0x67: {  	_ =	shalt  }
0x68: {  	_ =	shalt  }
0x69: {  	_ =	shalt  }
0x6a: {  	_ =	shalt  }
0x6b: {  	_ =	shalt  }
0x6c: {  	_ =	shalt  }
0x6d: {  	_ =	shalt  }
0x6e: {  	_ =	shalt  }
0x6f: {  	_ =	shalt  }
0x70: {  	_ =	shalt  }
0x71: {  	_ =	shalt  }
0x72: {  	_ =	shalt  }
0x73: {  	_ =	shalt  }
0x74: {  	_ =	shalt  }
0x75: {  	_ =	shalt  }
0x76: {  	_ =	shalt  }
0x77: {  	_ =	shalt  }
0x78: {  	_ =	shalt  }
0x79: {  	_ =	shalt  }
0x7a: {  	_ =	shalt  }
0x7b: {  	_ =	shalt  }
0x7c: {  	_ =	shalt  }
0x7d: {  	_ =	shalt  }
0x7e: {  	_ =	shalt  }
0x7f: {  	_ =	shalt  }
0x80: {  	_ =	shalt  }
0x81: {  	_ =	shalt  }
0x82: {  	_ =	shalt  }
0x83: {  	_ =	shalt  }
0x84: {  	_ =	shalt  }
0x85: {  	_ =	shalt  }
0x86: {  	_ =	shalt  }
0x87: {  	_ =	shalt  }
.Lfunc_end0:
.L_simem_size_0:
called_computation_lowered:
.L_overlay_start_0:
0x88: {  	s2 =	sld [smem:$0x3FD9]  }
0x89: {  	s3 =	sld [smem:$0x3FFE];
	_ =	sdelay $0x1  }
0x8a: {  	s1 =	srdreg.scid  }
0x8b: {  	s0 =	sand.u32 $0x1, s1  }
0x8c: {  	s18 =	sshll.u32 s0, $0xA;
	s2 =	sadd.s32 s3, s2  }
0x8d: {  	s2 =	sadd.s32 s2, s18  }
0x8e: {  	[smem:$0x3FC7] =	sst s2  }
0x8f: {  	_ = 	snop  }
0x90: {  	s2 =	sld [smem:$0x3FC9]  }
0x91: {  	s19 =	sld [smem:$0x3FD0];
	(tm) =	ssettm $0x1  }
0x92: {  	s4 =	sld [smem:$0x3FFB];
	_ =	sdelay $0x3  }
0x93: {  	_ =	strace s4  }
0x94: {  	s4 =	sld [smem:$0x3FFC];
	_ =	sdelay $0x3  }
0x95: {  	_ =	strace s4  }
0x96: {  	s4 =	sld [smem:$0x3FFD];
	_ =	sdelay $0x3  }
0x97: {  	_ =	strace s4  }
0x98: {  	_ =	strace $0x8FFFFFFF  }
0x99: {  	s20 =	sld [smem:$0x3FDB];
	_ =	sdelay $0x1  }
0x9a: {  	s5 =	simm.s32 $_scs_section_size  }
0x9b: {  	s6 =	simm.s32 $_size__tile_overlayer_lowered;
	s7 =	simm.s32 $_tile_overlayer_lowered  }
0x9c: {  	s23 =	simm.s32 $0x1BFF;
	s22 =	sshll.u32 s7, $0x1;
	s4 =	sadd.s32 s5, s20  }
0x9d: {  	s8 =	simm.s32 $0x0;
	s21 =	sshll.u32 s6, $0x1;
	s6 =	sadd.s32 s22, s4  }
0x9e: {  	[timem:s8], [sflag:s23] =	dma.local [hbm:s6], s21  }
0x9f: {  	_ =	swait.ge [sflag:s23], s21  }
0xa0: {  	s5 =	ssub.s32 $0x0, s21;
	[sflag:s23] =	ssyncset.done $0x0  }
0xa1: {  	[sflag:s23] =	ssyncadd.s32 s5;
	_ =	sdelay $0x1  }
0xa2: {  	s24 =	simm.s32 $0x1B8B  }
0xa3: {  	_ =	swait.ge [sflag:s24], $0x1  }
0xa4: {  	[sflag:s24] =	ssyncset.done $0x0  }
0xa5: {  	s25 =	simm.s32 $0x1B8E;
	[sflag:s24] =	ssyncadd.s32 $0xFFFFFFFF  }
0xa6: {  	s26 =	simm.s32 $execute0_lowered;
	[smem:$0x3FD2] =	sst s25  }
0xa7: {  	s5 =	sshll.u32 s26, $0x1;
	_ =	strace $0x80000046;
	[dreg:$0x1] =	wrdreg $0xFFFFFFFF  }
0xa8: {  	s28 =	simm.s32 $_size_execute0_lowered;
	s4 =	sadd.s32 s4, s5;
	[dreg:$0x0] =	wrdreg $0x0  }
0xa9: {  	s5 =	sshll.u32 s28, $0x1;
	[dreg:$0x2] =	wrdreg s4  }
0xaa: {  	[dreg:$0x3] =	wrdreg s5  }
0xab: {  	[dreg:$0x4] =	wrdreg $0xC0  }
0xac: {  	_ =	task [dreg:s8], $0x5FFFF  }
0xad: {  	[dreg:$0x1] =	wrdreg $0xFFFFFFFF  }
0xae: {  	[dreg:$0x0] =	wrdreg $0x60  }
0xaf: {  	[dreg:$0x2] =	wrdreg s2  }
0xb0: {  	[dreg:$0x3] =	wrdreg s19  }
0xb1: {  	[dreg:$0x4] =	wrdreg $0x100000  }
0xb2: {  	[dreg:$0x5] =	wrdreg $0x9  }
0xb3: {  	_ =	task.clear_ibuf [dreg:s8], $0x6FFFF;
	_ =	strace $0x90000046  }
0xb4: {  	s29 =	simm.s32 $0x9;
	_ =	strace $0x80000048  }
0xb5: {  	_ =	swait.ge [sflag:s29], $0x1  }
0xb6: {  	[sflag:s29] =	ssyncadd.s32 $0xFFFFFFFF  }
0xb7: {  	_ =	strace $0x90000048  }
0xb8: {  	_ =	sfence  }
0xb9: {  	s30 =	sld [smem:$0x0];
	_ =	sdelay $0x2  }
0xba: {  	s31 =	sshll.u32 s1, $0xD;
	s1 =	sshrl.u32 s1, $0x2  }
0xbb: {  	s3 =	sand.u32 $0x4000, s31;
	s1 =	sadd.s32 s1, s30  }
0xbc: {  	s0 =	sor.u32 s3, s0;
	s1 =	sshll.u32 s1, $0x11  }
0xbd: {  	s0 =	sor.u32 s1, s0  }
0xbe: {  	s0 =	sadd.s32 $0x8F2B, s0  }
0xbf: {  	[sflag:s0] =	ssyncadd.remote.s32 $0x1  }
0xc0: {  	_ =	sfence.sel $0xFFFF  }
0xc1: {  	[dreg:$0x0] =	wrdreg $0xFFFFFFFF;
	(pc) =	sbr.abs _section_cstart, $3  }
0xc2: {  	[dreg:$0x1] =	wrdreg $0xFFFFFFFF  }
0xc3: {  	_ =	task.clear_ibuf [dreg:s8], $0x2FFFF;
	_ =	strace $0x9FFFFFFF  }
0xc4: {  	(tm) =	ssettm $0x7FFFFFFF  }
0xc5: {  	_ =	shalt  }
tec
execute0_lowered:
.L_overlay_start_1:
0x0: {  	(tag) =	ssettag $0x1  }
0x1: {  	s3 =	rddreg [dreg:$0x0];
	s1 =	srdreg.scid  }
0x2: {  	s0 =	rddreg [dreg:$0x1];
	s31 =	stileid.u32;
	s1 =	sand.u32 $0x1, s1  }
0x3: {  	s2 =	simm.s32 $0x0;
	s4 =	sshll.u32 s31, $0x10;
	s6 =	sshll.u32 s1, $0xF  }
0x4: {  	[smem:$0x7FF] =	sst s2;
	s4 =	sor.u32 s6, s4  }
0x5: {  	s5 =	rddreg [dreg:$0x2];
	_ =	strace $0x80000047;
	s6 =	sadd.s32 s3, s4  }
0x6: {  	s7 =	sor.u32 $0x800, s4;
	s25 =	sadd.s32 s0, s4;
	[dreg:$0x4] =	wrdreg s6  }
0x7: {  	s8 =	sor.u32 $0x1000, s4;
	s24 =	sadd.s32 s3, s7;
	[dreg:$0x6] =	wrdreg s25  }
0x8: {  	s26 =	sadd.s32 s3, s8;
	[dreg:$0x5] =	wrdreg s24  }
0x9: {  	s29 =	sor.u32 $0x1800, s4;
	s28 =	sadd.s32 s0, s7;
	[dreg:$0x7] =	wrdreg s26  }
0xa: {  	p0 =	por $0x0, $0x0;
	s30 =	sadd.s32 s3, s29;
	[dreg:$0x8] =	wrdreg s28  }
0xb: {  	s10 =	sor.u32 $0x2000, s4;
	s9 =	sadd.s32 s0, s8;
	[dreg:$0x9] =	wrdreg s30  }
0xc: {  	s1 =	ssub.s32 $0x2, s1;
	s11 =	sadd.s32 s3, s10;
	[dreg:$0xa] =	wrdreg s9  }
0xd: {  	s13 =	sor.u32 $0x2800, s4;
	s12 =	sadd.s32 s0, s29;
	[dreg:$0xb] =	wrdreg s11  }
0xe: {  	s16 =	sor.u32 $0x3000, s4;
	s14 =	sadd.s32 s3, s13;
	[dreg:$0xc] =	wrdreg s12  }
0xf: {  	s19 =	sor.u32 $0x3800, s4;
	s15 =	sadd.s32 s0, s10;
	[dreg:$0xd] =	wrdreg s14  }
0x10: {  	s22 =	sor.u32 $0x4000, s4;
	s17 =	sadd.s32 s3, s16;
	[dreg:$0xe] =	wrdreg s15  }
0x11: {  	s18 =	sadd.s32 s0, s13;
	s20 =	sadd.s32 s3, s19;
	[dreg:$0xf] =	wrdreg s17  }
0x12: {  	s21 =	sadd.s32 s0, s16;
	s23 =	sadd.s32 s3, s22;
	[dreg:$0x10] =	wrdreg s18  }
0x13: {  	s25 =	sor.u32 $0x4800, s4;
	s29 =	sor.u32 $0x5000, s4;
	[dreg:$0x11] =	wrdreg s20  }
0x14: {  	s8 =	simm.s32 $0x7;
	s7 =	simm.s32 $0x8;
	[dreg:$0x12] =	wrdreg s21  }
0x15: {  	s9 =	sshrl.u32 s1, $0x1;
	[dreg:$0x13] =	wrdreg s23;
	s24 =	sadd.s32 s0, s19  }
0x16: {  	s26 =	sadd.s32 s3, s25;
	s28 =	sadd.s32 s0, s22;
	[dreg:$0x14] =	wrdreg s24  }
0x17: {  	s30 =	smul.u32 $0x30000, s31;
	s10 =	sadd.s32 s3, s29;
	[dreg:$0x15] =	wrdreg s26  }
0x18: {  	s11 =	sadd.s32 s0, s25;
	s12 =	sor.u32 $0x5800, s4;
	[dreg:$0x16] =	wrdreg s28  }
0x19: {  	s14 =	sadd.s32 s0, s29;
	s15 =	sor.u32 $0x6000, s4;
	[dreg:$0x17] =	wrdreg s10  }
0x1a: {  	s18 =	sor.u32 $0x6800, s4;
	s25 =	sshll.u32 s31, $0x6;
	[dreg:$0x18] =	wrdreg s11  }
0x1b: {  	s22 =	sor.u32 $0x7000, s4;
	s13 =	sadd.s32 s3, s12;
	[dreg:$0x1a] =	wrdreg s14  }
0x1c: {  	s4 =	sor.u32 $0x7800, s4;
	s16 =	sadd.s32 s3, s15;
	[dreg:$0x19] =	wrdreg s13  }
0x1d: {  	s1 =	ssub.s32 s1, s9;
	s17 =	sadd.s32 s0, s12;
	[dreg:$0x1b] =	wrdreg s16  }
0x1e: {  	s20 =	sadd.s32 s3, s18;
	s21 =	sadd.s32 s0, s15;
	[dreg:$0x1c] =	wrdreg s17  }
0x1f: {  	s14 =	sor.u32 $0x1C09, s25;
	s23 =	sadd.s32 s3, s22;
	[dreg:$0x1d] =	wrdreg s20  }
0x20: {  	s24 =	sadd.s32 s0, s18;
	s3 =	sadd.s32 s3, s4;
	[dreg:$0x1e] =	wrdreg s21  }
0x21: {  	s29 =	sadd.s32 s0, s22;
	s15 =	simm.s32 $0x9;
	[dreg:$0x1f] =	wrdreg s23  }
0x22: {  	s18 =	simm.s32 $0x3;
	s22 =	simm.s32 $0xB;
	[smem:$0x7FB] =	sst s24  }
0x23: {  	s12 =	simm.s32 $0x5;
	s11 =	simm.s32 $0x6;
	[smem:$0x7FC] =	sst s3  }
0x24: {  	s10 =	simm.s32 $0xE;
	s9 =	sshrl.u32 s30, $0x2;
	[smem:$0x7FD] =	sst s29  }
0x25: {  	s30 =	smax.u32 s1, $0x1;
	s24 =	simm.s32 $0x1;
	s21 =	simm.s32 $0x4000  }
0x26: {  	s23 =	simm.s32 $0x2;
	s17 =	simm.s32 $0x8000;
	p1 =	sne.s32 s30, $0x1  }
.Ltmp0:
0x27: {  	s13 =	simm.s32 $0xC000;
	s16 =	simm.s32 $0x4;
	(pc) =	sbr.rel @!p1 .LBB2_5-.Ltmp0, $4  }
0x28: {  	s3 =	simm.s32 $0xD;
	s1 =	rddreg [dreg:$0x4];
	s19 =	sadd.s32 s9, s5  }
0x29: {  	s5 =	sadd.s32 s0, s4;
	s9 =	simm.s32 $0xA;
	s4 =	simm.s32 $0xC  }
0x2a: {  	s0 =	sadd.s32 $0xFFFFFFFF, s30;
	s26 =	sadd.s32 $0x4000, s19;
	s28 =	sadd.s32 $0x8000, s19  }
0x2b: {  	s19 =	sshrl.u32 s19, $0x3;
	s6 =	sshrl.u32 s26, $0x3;
	s20 =	sshrl.u32 s28, $0x3  }
0x2c: {  	s26 =	rddreg [dreg:$0x5]  }
0x2d: {  	[tilespmem:s2], [sflag:$0x1] =	stream.linear.gather [hbm4b:s1+s2], $0x4000, $0x38;
	[tilespmem:$0x1C000] =	vst v63  }
0x2e: {  	[spmem:s19], [sflag:s14] =	dma.local [hbm:s26], $0x800  }
0x2f: {  	_ =	swait.ge [sflag:s24], $0x4000  }
0x30: {  	[sflag:s24] =	ssyncset.done $0x0  }
0x31: {  	s1 =	rddreg [dreg:$0x6];
	[sflag:s24] =	ssyncadd.s32 $0xFFFFC000  }
0x32: {  	[hbm4b:s1+s2] =	stream.linear.scatter [tilespmem:s2], [sflag:$0x5], $0x4000, $0x38;
	[tilespmem:$0x1C000] =	vst v63  }
0x33: {  	s26 =	rddreg [dreg:$0x7]  }
0x34: {  	[tilespmem:s21], [sflag:$0x2] =	stream.linear.gather [hbm4b:s26+s2], $0x4000, $0x38;
	[tilespmem:$0x1C000] =	vst v63  }
0x35: {  	_ =	swait.ge [sflag:s15], $0x800  }
0x36: {  	[sflag:s15] =	ssyncset.done $0x0  }
0x37: {  	s26 =	sor.u32 $0x1C0C, s25;
	s1 =	rddreg [dreg:$0x8];
	[sflag:s15] =	ssyncadd.s32 $0xFFFFF800  }
0x38: {  	[hbm:s1], [sflag:s26] =	dma.local [spmem:s19], $0x800  }
0x39: {  	s28 =	sor.u32 $0x1C0A, s25;
	s1 =	rddreg [dreg:$0x9]  }
0x3a: {  	[spmem:s6], [sflag:s28] =	dma.local [hbm:s1], $0x800  }
0x3b: {  	_ =	swait.ge [sflag:s23], $0x4000  }
0x3c: {  	[sflag:s23] =	ssyncset.done $0x0  }
0x3d: {  	s1 =	rddreg [dreg:$0xa];
	[sflag:s23] =	ssyncadd.s32 $0xFFFFC000  }
0x3e: {  	[hbm4b:s1+s2] =	stream.linear.scatter [tilespmem:s21], [sflag:$0x6], $0x4000, $0x38;
	[tilespmem:$0x1C000] =	vst v63  }
0x3f: {  	s29 =	rddreg [dreg:$0xb]  }
0x40: {  	[tilespmem:s17], [sflag:$0x3] =	stream.linear.gather [hbm4b:s29+s2], $0x4000, $0x38;
	[tilespmem:$0x1C000] =	vst v63  }
0x41: {  	_ =	swait.ge [sflag:s9], $0x800  }
0x42: {  	[sflag:s9] =	ssyncset.done $0x0  }
0x43: {  	s29 =	sor.u32 $0x1C0D, s25;
	s1 =	rddreg [dreg:$0xc];
	[sflag:s9] =	ssyncadd.s32 $0xFFFFF800  }
0x44: {  	[hbm:s1], [sflag:s29] =	dma.local [spmem:s6], $0x800  }
0x45: {  	s30 =	sor.u32 $0x1C0B, s25;
	s1 =	rddreg [dreg:$0xd]  }
0x46: {  	[spmem:s20], [sflag:s30] =	dma.local [hbm:s1], $0x800  }
0x47: {  	_ =	swait.ge [sflag:s18], $0x4000  }
0x48: {  	[sflag:s18] =	ssyncset.done $0x0  }
0x49: {  	s1 =	rddreg [dreg:$0xe];
	[sflag:s18] =	ssyncadd.s32 $0xFFFFC000  }
0x4a: {  	[hbm4b:s1+s2] =	stream.linear.scatter [tilespmem:s17], [sflag:$0x7], $0x4000, $0x38;
	[tilespmem:$0x1C000] =	vst v63  }
0x4b: {  	s31 =	rddreg [dreg:$0xf]  }
0x4c: {  	[tilespmem:s13], [sflag:$0x4] =	stream.linear.gather [hbm4b:s31+s2], $0x4000, $0x38;
	[tilespmem:$0x1C000] =	vst v63  }
0x4d: {  	_ =	swait.ge [sflag:s22], $0x800  }
0x4e: {  	s1 =	rddreg [dreg:$0x10];
	[sflag:s22] =	ssyncset.done $0x0  }
0x4f: {  	s31 =	sor.u32 $0x1C0E, s25;
	[smem:$0x7FA] =	sst s25;
	[sflag:s22] =	ssyncadd.s32 $0xFFFFF800  }
0x50: {  	[hbm:s1], [sflag:s31] =	dma.local [spmem:s20], $0x800  }
0x51: {  	_ =	swait.ge [sflag:s4], $0x800  }
0x52: {  	[sflag:s4] =	ssyncset.done $0x0  }
0x53: {  	s25 =	rddreg [dreg:$0x11];
	[sflag:s4] =	ssyncadd.s32 $0xFFFFF800  }
0x54: {  	[spmem:s19], [sflag:s14] =	dma.local [hbm:s25], $0x800  }
0x55: {  	_ =	swait.ge [sflag:s16], $0x4000  }
0x56: {  	[sflag:s16] =	ssyncset.done $0x0  }
0x57: {  	s25 =	rddreg [dreg:$0x12];
	[sflag:s16] =	ssyncadd.s32 $0xFFFFC000  }
0x58: {  	[hbm4b:s25+s2] =	stream.linear.scatter [tilespmem:s13], [sflag:$0x8], $0x4000, $0x38;
	[tilespmem:$0x1C000] =	vst v63  }
0x59: {  	_ =	swait.ge [sflag:s12], $0x4000  }
0x5a: {  	[sflag:s12] =	ssyncset.done $0x0  }
0x5b: {  	s25 =	rddreg [dreg:$0x13];
	[sflag:s12] =	ssyncadd.s32 $0xFFFFC000  }
0x5c: {  	[tilespmem:s2], [sflag:$0x1] =	stream.linear.gather [hbm4b:s25+s2], $0x4000, $0x38;
	[tilespmem:$0x1C000] =	vst v63  }
0x5d: {  	_ =	swait.ge [sflag:s15], $0x800  }
0x5e: {  	[sflag:s15] =	ssyncset.done $0x0  }
0x5f: {  	s25 =	rddreg [dreg:$0x14];
	[sflag:s15] =	ssyncadd.s32 $0xFFFFF800  }
0x60: {  	[hbm:s25], [sflag:s26] =	dma.local [spmem:s19], $0x800  }
0x61: {  	_ =	swait.ge [sflag:s3], $0x800  }
0x62: {  	[sflag:s3] =	ssyncset.done $0x0  }
0x63: {  	s25 =	rddreg [dreg:$0x15];
	[sflag:s3] =	ssyncadd.s32 $0xFFFFF800  }
0x64: {  	[spmem:s6], [sflag:s28] =	dma.local [hbm:s25], $0x800  }
0x65: {  	_ =	swait.ge [sflag:s24], $0x4000  }
0x66: {  	[sflag:s24] =	ssyncset.done $0x0  }
0x67: {  	s25 =	rddreg [dreg:$0x16];
	[sflag:s24] =	ssyncadd.s32 $0xFFFFC000  }
0x68: {  	[hbm4b:s25+s2] =	stream.linear.scatter [tilespmem:s2], [sflag:$0x5], $0x4000, $0x38;
	[tilespmem:$0x1C000] =	vst v63  }
0x69: {  	_ =	swait.ge [sflag:s11], $0x4000  }
0x6a: {  	[sflag:s11] =	ssyncset.done $0x0  }
0x6b: {  	s25 =	rddreg [dreg:$0x17];
	[sflag:s11] =	ssyncadd.s32 $0xFFFFC000  }
0x6c: {  	[tilespmem:s21], [sflag:$0x2] =	stream.linear.gather [hbm4b:s25+s2], $0x4000, $0x38;
	[tilespmem:$0x1C000] =	vst v63  }
0x6d: {  	_ =	swait.ge [sflag:s9], $0x800  }
0x6e: {  	[sflag:s9] =	ssyncset.done $0x0  }
0x6f: {  	s25 =	rddreg [dreg:$0x18];
	[sflag:s9] =	ssyncadd.s32 $0xFFFFF800  }
0x70: {  	[hbm:s25], [sflag:s29] =	dma.local [spmem:s6], $0x800  }
0x71: {  	_ =	swait.ge [sflag:s10], $0x800  }
0x72: {  	[sflag:s10] =	ssyncset.done $0x0  }
0x73: {  	s25 =	rddreg [dreg:$0x19];
	[sflag:s10] =	ssyncadd.s32 $0xFFFFF800  }
0x74: {  	[spmem:s20], [sflag:s30] =	dma.local [hbm:s25], $0x800  }
0x75: {  	_ =	swait.ge [sflag:s23], $0x4000  }
0x76: {  	[sflag:s23] =	ssyncset.done $0x0  }
0x77: {  	s25 =	rddreg [dreg:$0x1a];
	[sflag:s23] =	ssyncadd.s32 $0xFFFFC000  }
0x78: {  	[hbm4b:s25+s2] =	stream.linear.scatter [tilespmem:s21], [sflag:$0x6], $0x4000, $0x38;
	[tilespmem:$0x1C000] =	vst v63  }
0x79: {  	_ =	swait.ge [sflag:s8], $0x4000  }
0x7a: {  	[sflag:s8] =	ssyncset.done $0x0  }
0x7b: {  	s25 =	rddreg [dreg:$0x1b];
	[sflag:s8] =	ssyncadd.s32 $0xFFFFC000  }
0x7c: {  	[tilespmem:s17], [sflag:$0x3] =	stream.linear.gather [hbm4b:s25+s2], $0x4000, $0x38;
	[tilespmem:$0x1C000] =	vst v63  }
0x7d: {  	_ =	swait.ge [sflag:s22], $0x800  }
0x7e: {  	[sflag:s22] =	ssyncset.done $0x0  }
0x7f: {  	s25 =	rddreg [dreg:$0x1c];
	[sflag:s22] =	ssyncadd.s32 $0xFFFFF800  }
0x80: {  	[hbm:s25], [sflag:s31] =	dma.local [spmem:s20], $0x800  }
0x81: {  	_ =	swait.ge [sflag:s4], $0x800  }
0x82: {  	[sflag:s4] =	ssyncset.done $0x0  }
0x83: {  	s25 =	rddreg [dreg:$0x1d];
	[sflag:s4] =	ssyncadd.s32 $0xFFFFF800  }
0x84: {  	[spmem:s19], [sflag:s14] =	dma.local [hbm:s25], $0x800  }
0x85: {  	_ =	swait.ge [sflag:s18], $0x4000  }
0x86: {  	[sflag:s18] =	ssyncset.done $0x0  }
0x87: {  	s25 =	rddreg [dreg:$0x1e];
	[sflag:s18] =	ssyncadd.s32 $0xFFFFC000  }
0x88: {  	[hbm4b:s25+s2] =	stream.linear.scatter [tilespmem:s17], [sflag:$0x7], $0x4000, $0x38;
	[tilespmem:$0x1C000] =	vst v63  }
0x89: {  	_ =	swait.ge [sflag:s7], $0x4000  }
0x8a: {  	[sflag:s7] =	ssyncset.done $0x0  }
0x8b: {  	s25 =	rddreg [dreg:$0x1f];
	[sflag:s7] =	ssyncadd.s32 $0xFFFFC000  }
0x8c: {  	[tilespmem:s13], [sflag:$0x4] =	stream.linear.gather [hbm4b:s25+s2], $0x4000, $0x38;
	[tilespmem:$0x1C000] =	vst v63  }
0x8d: {  	_ =	swait.ge [sflag:s15], $0x800  }
0x8e: {  	s25 =	sld [smem:$0x7FB]  }
0x8f: {  	[sflag:s15] =	ssyncset.done $0x0  }
0x90: {  	[sflag:s15] =	ssyncadd.s32 $0xFFFFF800  }
0x91: {  	[hbm:s25], [sflag:s26] =	dma.local [spmem:s19], $0x800  }
0x92: {  	_ =	swait.ge [sflag:s3], $0x800  }
0x93: {  	s25 =	sld [smem:$0x7FC]  }
0x94: {  	[sflag:s3] =	ssyncset.done $0x0  }
0x95: {  	[sflag:s3] =	ssyncadd.s32 $0xFFFFF800  }
0x96: {  	[spmem:s6], [sflag:s28] =	dma.local [hbm:s25], $0x800  }
0x97: {  	_ =	swait.ge [sflag:s16], $0x4000  }
0x98: {  	s25 =	sld [smem:$0x7FD]  }
0x99: {  	[sflag:s16] =	ssyncset.done $0x0  }
0x9a: {  	[sflag:s16] =	ssyncadd.s32 $0xFFFFC000  }
0x9b: {  	[hbm4b:s25+s2] =	stream.linear.scatter [tilespmem:s13], [sflag:$0x8], $0x4000, $0x38;
	[tilespmem:$0x1C000] =	vst v63  }
0x9c: {  	_ =	swait.ge [sflag:s9], $0x800  }
0x9d: {  	[sflag:s9] =	ssyncset.done $0x0  }
0x9e: {  	[sflag:s9] =	ssyncadd.s32 $0xFFFFF800  }
0x9f: {  	[hbm:s5], [sflag:s29] =	dma.local [spmem:s6], $0x800  }
0xa0: {  	_ =	swait.ge [sflag:s12], $0x4000  }
0xa1: {  	[sflag:s12] =	ssyncset.done $0x0  }
0xa2: {  	[sflag:s12] =	ssyncadd.s32 $0xFFFFC000  }
0xa3: {  	_ =	swait.ge [sflag:s11], $0x4000  }
0xa4: {  	[sflag:s11] =	ssyncset.done $0x0  }
0xa5: {  	[sflag:s11] =	ssyncadd.s32 $0xFFFFC000  }
0xa6: {  	_ =	swait.ge [sflag:s10], $0x800  }
0xa7: {  	[sflag:s10] =	ssyncset.done $0x0  }
0xa8: {  	[sflag:s10] =	ssyncadd.s32 $0xFFFFF800  }
0xa9: {  	_ =	swait.ge [sflag:s8], $0x4000  }
0xaa: {  	[sflag:s8] =	ssyncset.done $0x0  }
0xab: {  	[sflag:s8] =	ssyncadd.s32 $0xFFFFC000  }
0xac: {  	_ =	swait.ge [sflag:s4], $0x800  }
0xad: {  	[sflag:s4] =	ssyncset.done $0x0  }
0xae: {  	p1 =	sne.s32 s0, $0x1;
	[sflag:s4] =	ssyncadd.s32 $0xFFFFF800  }
.Ltmp1:
0xaf: {  	_ =	swait.ge [sflag:s7], $0x4000;
	(pc) =	sbr.rel @!p1 .LBB2_2-.Ltmp1, $4  }
0xb0: {  	[sflag:s7] =	ssyncset.done $0x0  }
0xb1: {  	[sflag:s7] =	ssyncadd.s32 $0xFFFFC000  }
0xb2: {  	s0 =	sadd.s32 $0xFFFFFFFF, s0;
	_ =	swait.ge [sflag:s3], $0x800  }
0xb3: {  	p0 =	por $0x1, $0x1;
	s1 =	rddreg [dreg:$0x4];
	[sflag:s3] =	ssyncset.done $0x0  }
.LBB2_3:
0xb4: {  	s25 =	rddreg [dreg:$0x5];
	[sflag:s3] =	ssyncadd.s32 $0xFFFFF800  }
0xb5: {  	[tilespmem:s2], [sflag:$0x1] =	stream.linear.gather [hbm4b:s1+s2], $0x4000, $0x38;
	[tilespmem:$0x1C000] =	vst v63  }
0xb6: {  	[spmem:s19], [sflag:s14] =	dma.local [hbm:s25], $0x800  }
0xb7: {  	_ =	swait.ge [sflag:s24], $0x4000  }
0xb8: {  	[sflag:s24] =	ssyncset.done $0x0  }
0xb9: {  	s1 =	rddreg [dreg:$0x6];
	[sflag:s24] =	ssyncadd.s32 $0xFFFFC000  }
0xba: {  	[hbm4b:s1+s2] =	stream.linear.scatter [tilespmem:s2], [sflag:$0x5], $0x4000, $0x38;
	[tilespmem:$0x1C000] =	vst v63  }
0xbb: {  	s25 =	rddreg [dreg:$0x7]  }
0xbc: {  	[tilespmem:s21], [sflag:$0x2] =	stream.linear.gather [hbm4b:s25+s2], $0x4000, $0x38;
	[tilespmem:$0x1C000] =	vst v63  }
0xbd: {  	_ =	swait.ge [sflag:s15], $0x800  }
0xbe: {  	[sflag:s15] =	ssyncset.done $0x0  }
0xbf: {  	s25 =	rddreg [dreg:$0x8];
	[sflag:s15] =	ssyncadd.s32 $0xFFFFF800  }
0xc0: {  	[hbm:s25], [sflag:s26] =	dma.local [spmem:s19], $0x800  }
0xc1: {  	s1 =	rddreg [dreg:$0x9]  }
0xc2: {  	[spmem:s6], [sflag:s28] =	dma.local [hbm:s1], $0x800  }
0xc3: {  	_ =	swait.ge [sflag:s23], $0x4000  }
0xc4: {  	[sflag:s23] =	ssyncset.done $0x0  }
0xc5: {  	s1 =	rddreg [dreg:$0xa];
	[sflag:s23] =	ssyncadd.s32 $0xFFFFC000  }
0xc6: {  	[hbm4b:s1+s2] =	stream.linear.scatter [tilespmem:s21], [sflag:$0x6], $0x4000, $0x38;
	[tilespmem:$0x1C000] =	vst v63  }
0xc7: {  	s25 =	rddreg [dreg:$0xb]  }
0xc8: {  	[tilespmem:s17], [sflag:$0x3] =	stream.linear.gather [hbm4b:s25+s2], $0x4000, $0x38;
	[tilespmem:$0x1C000] =	vst v63  }
0xc9: {  	_ =	swait.ge [sflag:s9], $0x800  }
0xca: {  	[sflag:s9] =	ssyncset.done $0x0  }
0xcb: {  	s25 =	rddreg [dreg:$0xc];
	[sflag:s9] =	ssyncadd.s32 $0xFFFFF800  }
0xcc: {  	[hbm:s25], [sflag:s29] =	dma.local [spmem:s6], $0x800  }
0xcd: {  	s1 =	rddreg [dreg:$0xd]  }
0xce: {  	[spmem:s20], [sflag:s30] =	dma.local [hbm:s1], $0x800  }
0xcf: {  	_ =	swait.ge [sflag:s18], $0x4000  }
0xd0: {  	[sflag:s18] =	ssyncset.done $0x0  }
0xd1: {  	s1 =	rddreg [dreg:$0xe];
	[sflag:s18] =	ssyncadd.s32 $0xFFFFC000  }
0xd2: {  	[hbm4b:s1+s2] =	stream.linear.scatter [tilespmem:s17], [sflag:$0x7], $0x4000, $0x38;
	[tilespmem:$0x1C000] =	vst v63  }
0xd3: {  	s25 =	rddreg [dreg:$0xf]  }
0xd4: {  	[tilespmem:s13], [sflag:$0x4] =	stream.linear.gather [hbm4b:s25+s2], $0x4000, $0x38;
	[tilespmem:$0x1C000] =	vst v63  }
0xd5: {  	_ =	swait.ge [sflag:s22], $0x800  }
0xd6: {  	[sflag:s22] =	ssyncset.done $0x0  }
0xd7: {  	s25 =	rddreg [dreg:$0x10];
	[sflag:s22] =	ssyncadd.s32 $0xFFFFF800  }
0xd8: {  	[hbm:s25], [sflag:s31] =	dma.local [spmem:s20], $0x800  }
0xd9: {  	_ =	swait.ge [sflag:s4], $0x800  }
0xda: {  	[sflag:s4] =	ssyncset.done $0x0  }
0xdb: {  	s25 =	rddreg [dreg:$0x11];
	[sflag:s4] =	ssyncadd.s32 $0xFFFFF800  }
0xdc: {  	[spmem:s19], [sflag:s14] =	dma.local [hbm:s25], $0x800  }
0xdd: {  	_ =	swait.ge [sflag:s16], $0x4000  }
0xde: {  	[sflag:s16] =	ssyncset.done $0x0  }
0xdf: {  	s25 =	rddreg [dreg:$0x12];
	[sflag:s16] =	ssyncadd.s32 $0xFFFFC000  }
0xe0: {  	[hbm4b:s25+s2] =	stream.linear.scatter [tilespmem:s13], [sflag:$0x8], $0x4000, $0x38;
	[tilespmem:$0x1C000] =	vst v63  }
0xe1: {  	_ =	swait.ge [sflag:s12], $0x4000  }
0xe2: {  	[sflag:s12] =	ssyncset.done $0x0  }
0xe3: {  	s25 =	rddreg [dreg:$0x13];
	[sflag:s12] =	ssyncadd.s32 $0xFFFFC000  }
0xe4: {  	[tilespmem:s2], [sflag:$0x1] =	stream.linear.gather [hbm4b:s25+s2], $0x4000, $0x38;
	[tilespmem:$0x1C000] =	vst v63  }
0xe5: {  	_ =	swait.ge [sflag:s15], $0x800  }
0xe6: {  	[sflag:s15] =	ssyncset.done $0x0  }
0xe7: {  	s25 =	rddreg [dreg:$0x14];
	[sflag:s15] =	ssyncadd.s32 $0xFFFFF800  }
0xe8: {  	[hbm:s25], [sflag:s26] =	dma.local [spmem:s19], $0x800  }
0xe9: {  	_ =	swait.ge [sflag:s3], $0x800  }
0xea: {  	[sflag:s3] =	ssyncset.done $0x0  }
0xeb: {  	s25 =	rddreg [dreg:$0x15];
	[sflag:s3] =	ssyncadd.s32 $0xFFFFF800  }
0xec: {  	[spmem:s6], [sflag:s28] =	dma.local [hbm:s25], $0x800  }
0xed: {  	_ =	swait.ge [sflag:s24], $0x4000  }
0xee: {  	[sflag:s24] =	ssyncset.done $0x0  }
0xef: {  	s25 =	rddreg [dreg:$0x16];
	[sflag:s24] =	ssyncadd.s32 $0xFFFFC000  }
0xf0: {  	[hbm4b:s25+s2] =	stream.linear.scatter [tilespmem:s2], [sflag:$0x5], $0x4000, $0x38;
	[tilespmem:$0x1C000] =	vst v63  }
0xf1: {  	_ =	swait.ge [sflag:s11], $0x4000  }
0xf2: {  	[sflag:s11] =	ssyncset.done $0x0  }
0xf3: {  	s25 =	rddreg [dreg:$0x17];
	[sflag:s11] =	ssyncadd.s32 $0xFFFFC000  }
0xf4: {  	[tilespmem:s21], [sflag:$0x2] =	stream.linear.gather [hbm4b:s25+s2], $0x4000, $0x38;
	[tilespmem:$0x1C000] =	vst v63  }
0xf5: {  	_ =	swait.ge [sflag:s9], $0x800  }
0xf6: {  	[sflag:s9] =	ssyncset.done $0x0  }
0xf7: {  	s25 =	rddreg [dreg:$0x18];
	[sflag:s9] =	ssyncadd.s32 $0xFFFFF800  }
0xf8: {  	[hbm:s25], [sflag:s29] =	dma.local [spmem:s6], $0x800  }
0xf9: {  	_ =	swait.ge [sflag:s10], $0x800  }
0xfa: {  	[sflag:s10] =	ssyncset.done $0x0  }
0xfb: {  	s25 =	rddreg [dreg:$0x19];
	[sflag:s10] =	ssyncadd.s32 $0xFFFFF800  }
0xfc: {  	[spmem:s20], [sflag:s30] =	dma.local [hbm:s25], $0x800  }
0xfd: {  	_ =	swait.ge [sflag:s23], $0x4000  }
0xfe: {  	[sflag:s23] =	ssyncset.done $0x0  }
0xff: {  	s25 =	rddreg [dreg:$0x1a];
	[sflag:s23] =	ssyncadd.s32 $0xFFFFC000  }
0x100: {  	[hbm4b:s25+s2] =	stream.linear.scatter [tilespmem:s21], [sflag:$0x6], $0x4000, $0x38;
	[tilespmem:$0x1C000] =	vst v63  }
0x101: {  	_ =	swait.ge [sflag:s8], $0x4000  }
0x102: {  	[sflag:s8] =	ssyncset.done $0x0  }
0x103: {  	s25 =	rddreg [dreg:$0x1b];
	[sflag:s8] =	ssyncadd.s32 $0xFFFFC000  }
0x104: {  	[tilespmem:s17], [sflag:$0x3] =	stream.linear.gather [hbm4b:s25+s2], $0x4000, $0x38;
	[tilespmem:$0x1C000] =	vst v63  }
0x105: {  	_ =	swait.ge [sflag:s22], $0x800  }
0x106: {  	[sflag:s22] =	ssyncset.done $0x0  }
0x107: {  	s25 =	rddreg [dreg:$0x1c];
	[sflag:s22] =	ssyncadd.s32 $0xFFFFF800  }
0x108: {  	[hbm:s25], [sflag:s31] =	dma.local [spmem:s20], $0x800  }
0x109: {  	_ =	swait.ge [sflag:s4], $0x800  }
0x10a: {  	[sflag:s4] =	ssyncset.done $0x0  }
0x10b: {  	s25 =	rddreg [dreg:$0x1d];
	[sflag:s4] =	ssyncadd.s32 $0xFFFFF800  }
0x10c: {  	[spmem:s19], [sflag:s14] =	dma.local [hbm:s25], $0x800  }
0x10d: {  	_ =	swait.ge [sflag:s18], $0x4000  }
0x10e: {  	[sflag:s18] =	ssyncset.done $0x0  }
0x10f: {  	s25 =	rddreg [dreg:$0x1e];
	[sflag:s18] =	ssyncadd.s32 $0xFFFFC000  }
0x110: {  	[hbm4b:s25+s2] =	stream.linear.scatter [tilespmem:s17], [sflag:$0x7], $0x4000, $0x38;
	[tilespmem:$0x1C000] =	vst v63  }
0x111: {  	_ =	swait.ge [sflag:s7], $0x4000  }
0x112: {  	[sflag:s7] =	ssyncset.done $0x0  }
0x113: {  	s25 =	rddreg [dreg:$0x1f];
	[sflag:s7] =	ssyncadd.s32 $0xFFFFC000  }
0x114: {  	[tilespmem:s13], [sflag:$0x4] =	stream.linear.gather [hbm4b:s25+s2], $0x4000, $0x38;
	[tilespmem:$0x1C000] =	vst v63  }
0x115: {  	_ =	swait.ge [sflag:s15], $0x800  }
0x116: {  	s25 =	sld [smem:$0x7FB]  }
0x117: {  	[sflag:s15] =	ssyncset.done $0x0  }
0x118: {  	[sflag:s15] =	ssyncadd.s32 $0xFFFFF800  }
0x119: {  	[hbm:s25], [sflag:s26] =	dma.local [spmem:s19], $0x800  }
0x11a: {  	_ =	swait.ge [sflag:s3], $0x800  }
0x11b: {  	s25 =	sld [smem:$0x7FC]  }
0x11c: {  	[sflag:s3] =	ssyncset.done $0x0  }
0x11d: {  	[sflag:s3] =	ssyncadd.s32 $0xFFFFF800  }
0x11e: {  	[spmem:s6], [sflag:s28] =	dma.local [hbm:s25], $0x800  }
0x11f: {  	_ =	swait.ge [sflag:s16], $0x4000  }
0x120: {  	s25 =	sld [smem:$0x7FD]  }
0x121: {  	[sflag:s16] =	ssyncset.done $0x0  }
0x122: {  	[sflag:s16] =	ssyncadd.s32 $0xFFFFC000  }
0x123: {  	[hbm4b:s25+s2] =	stream.linear.scatter [tilespmem:s13], [sflag:$0x8], $0x4000, $0x38;
	[tilespmem:$0x1C000] =	vst v63  }
0x124: {  	_ =	swait.ge [sflag:s9], $0x800  }
0x125: {  	[sflag:s9] =	ssyncset.done $0x0  }
0x126: {  	[sflag:s9] =	ssyncadd.s32 $0xFFFFF800  }
0x127: {  	[hbm:s5], [sflag:s29] =	dma.local [spmem:s6], $0x800  }
0x128: {  	_ =	swait.ge [sflag:s12], $0x4000  }
0x129: {  	[sflag:s12] =	ssyncset.done $0x0  }
0x12a: {  	[sflag:s12] =	ssyncadd.s32 $0xFFFFC000  }
0x12b: {  	_ =	swait.ge [sflag:s11], $0x4000  }
0x12c: {  	[sflag:s11] =	ssyncset.done $0x0  }
0x12d: {  	[sflag:s11] =	ssyncadd.s32 $0xFFFFC000  }
0x12e: {  	_ =	swait.ge [sflag:s10], $0x800  }
0x12f: {  	[sflag:s10] =	ssyncset.done $0x0  }
0x130: {  	[sflag:s10] =	ssyncadd.s32 $0xFFFFF800  }
0x131: {  	_ =	swait.ge [sflag:s8], $0x4000  }
0x132: {  	[sflag:s8] =	ssyncset.done $0x0  }
0x133: {  	[sflag:s8] =	ssyncadd.s32 $0xFFFFC000  }
0x134: {  	_ =	swait.ge [sflag:s4], $0x800  }
0x135: {  	[sflag:s4] =	ssyncset.done $0x0  }
0x136: {  	p1 =	sne.s32 s0, $0x1;
	[sflag:s4] =	ssyncadd.s32 $0xFFFFF800  }
.Ltmp2:
0x137: {  	_ =	swait.ge [sflag:s7], $0x4000;
	(pc) =	sbr.rel @p1 .LBB2_3-.Ltmp2, $4  }
0x138: {  	[sflag:s7] =	ssyncset.done $0x0  }
0x139: {  	[sflag:s7] =	ssyncadd.s32 $0xFFFFC000  }
0x13a: {  	_ =	swait.ge [sflag:s3], $0x800  }
0x13b: {  	s0 =	sadd.s32 $0xFFFFFFFF, s0;
	s1 =	rddreg [dreg:$0x4];
	[sflag:s3] =	ssyncset.done $0x0  }
0x13c: {  	s31 =	stileid.u32;
	s25 =	sld [smem:$0x7FA]  }
.LBB2_5:
0x13d: {  	s0 =	rddreg [dreg:$0x5];
	[sflag:s3] =	ssyncadd.s32 @p0 $0xFFFFF800  }
0x13e: {  	[tilespmem:s2], [sflag:$0x1] =	stream.linear.gather [hbm4b:s1+s2], $0x4000, $0x38;
	[tilespmem:$0x1C000] =	vst v63  }
0x13f: {  	[spmem:s19], [sflag:s14] =	dma.local [hbm:s0], $0x800  }
0x140: {  	_ =	swait.ge [sflag:s24], $0x4000  }
0x141: {  	[sflag:s24] =	ssyncset.done $0x0  }
0x142: {  	s29 =	rddreg [dreg:$0x6];
	[sflag:s24] =	ssyncadd.s32 $0xFFFFC000  }
0x143: {  	[hbm4b:s29+s2] =	stream.linear.scatter [tilespmem:s2], [sflag:$0x5], $0x4000, $0x38;
	[tilespmem:$0x1C000] =	vst v63  }
0x144: {  	s30 =	rddreg [dreg:$0x7]  }
0x145: {  	[tilespmem:s21], [sflag:$0x2] =	stream.linear.gather [hbm4b:s30+s2], $0x4000, $0x38;
	[tilespmem:$0x1C000] =	vst v63  }
0x146: {  	_ =	swait.ge [sflag:s15], $0x800  }
0x147: {  	[sflag:s15] =	ssyncset.done $0x0  }
0x148: {  	s26 =	sor.u32 $0x1C0C, s25;
	s1 =	rddreg [dreg:$0x8];
	[sflag:s15] =	ssyncadd.s32 $0xFFFFF800  }
0x149: {  	[hbm:s1], [sflag:s26] =	dma.local [spmem:s19], $0x800  }
0x14a: {  	s0 =	sor.u32 $0x1C0A, s25;
	s28 =	rddreg [dreg:$0x9]  }
0x14b: {  	[spmem:s6], [sflag:s0] =	dma.local [hbm:s28], $0x800  }
0x14c: {  	_ =	swait.ge [sflag:s23], $0x4000  }
0x14d: {  	[sflag:s23] =	ssyncset.done $0x0  }
0x14e: {  	s29 =	rddreg [dreg:$0xa];
	[sflag:s23] =	ssyncadd.s32 $0xFFFFC000  }
0x14f: {  	[hbm4b:s29+s2] =	stream.linear.scatter [tilespmem:s21], [sflag:$0x6], $0x4000, $0x38;
	[tilespmem:$0x1C000] =	vst v63  }
0x150: {  	s28 =	rddreg [dreg:$0xb]  }
0x151: {  	[tilespmem:s17], [sflag:$0x3] =	stream.linear.gather [hbm4b:s28+s2], $0x4000, $0x38;
	[tilespmem:$0x1C000] =	vst v63  }
0x152: {  	_ =	swait.ge [sflag:s9], $0x800  }
0x153: {  	[sflag:s9] =	ssyncset.done $0x0  }
0x154: {  	s28 =	sor.u32 $0x1C0D, s25;
	s30 =	rddreg [dreg:$0xc];
	[sflag:s9] =	ssyncadd.s32 $0xFFFFF800  }
0x155: {  	[hbm:s30], [sflag:s28] =	dma.local [spmem:s6], $0x800  }
0x156: {  	s30 =	sor.u32 $0x1C0B, s25;
	s1 =	rddreg [dreg:$0xd]  }
0x157: {  	[spmem:s20], [sflag:s30] =	dma.local [hbm:s1], $0x800  }
0x158: {  	_ =	swait.ge [sflag:s18], $0x4000  }
0x159: {  	[sflag:s18] =	ssyncset.done $0x0  }
0x15a: {  	s1 =	rddreg [dreg:$0xe];
	[sflag:s18] =	ssyncadd.s32 $0xFFFFC000  }
0x15b: {  	[hbm4b:s1+s2] =	stream.linear.scatter [tilespmem:s17], [sflag:$0x7], $0x4000, $0x38;
	[tilespmem:$0x1C000] =	vst v63  }
0x15c: {  	s29 =	rddreg [dreg:$0xf]  }
0x15d: {  	[tilespmem:s13], [sflag:$0x4] =	stream.linear.gather [hbm4b:s29+s2], $0x4000, $0x38;
	[tilespmem:$0x1C000] =	vst v63  }
0x15e: {  	_ =	swait.ge [sflag:s22], $0x800  }
0x15f: {  	[sflag:s22] =	ssyncset.done $0x0  }
0x160: {  	s29 =	sor.u32 $0x1C0E, s25;
	s1 =	rddreg [dreg:$0x10];
	[sflag:s22] =	ssyncadd.s32 $0xFFFFF800  }
0x161: {  	[hbm:s1], [sflag:s29] =	dma.local [spmem:s20], $0x800  }
0x162: {  	_ =	swait.ge [sflag:s4], $0x800  }
0x163: {  	[sflag:s4] =	ssyncset.done $0x0  }
0x164: {  	s25 =	rddreg [dreg:$0x11];
	[sflag:s4] =	ssyncadd.s32 $0xFFFFF800  }
0x165: {  	[spmem:s19], [sflag:s14] =	dma.local [hbm:s25], $0x800  }
0x166: {  	_ =	swait.ge [sflag:s16], $0x4000  }
0x167: {  	[sflag:s16] =	ssyncset.done $0x0  }
0x168: {  	s25 =	rddreg [dreg:$0x12];
	[sflag:s16] =	ssyncadd.s32 $0xFFFFC000  }
0x169: {  	[hbm4b:s25+s2] =	stream.linear.scatter [tilespmem:s13], [sflag:$0x8], $0x4000, $0x38;
	[tilespmem:$0x1C000] =	vst v63  }
0x16a: {  	_ =	swait.ge [sflag:s12], $0x4000  }
0x16b: {  	[sflag:s12] =	ssyncset.done $0x0  }
0x16c: {  	s25 =	rddreg [dreg:$0x13];
	[sflag:s12] =	ssyncadd.s32 $0xFFFFC000  }
0x16d: {  	[tilespmem:s2], [sflag:$0x1] =	stream.linear.gather [hbm4b:s25+s2], $0x4000, $0x38;
	[tilespmem:$0x1C000] =	vst v63  }
0x16e: {  	_ =	swait.ge [sflag:s15], $0x800  }
0x16f: {  	[sflag:s15] =	ssyncset.done $0x0  }
0x170: {  	s25 =	rddreg [dreg:$0x14];
	[sflag:s15] =	ssyncadd.s32 $0xFFFFF800  }
0x171: {  	[hbm:s25], [sflag:s26] =	dma.local [spmem:s19], $0x800  }
0x172: {  	_ =	swait.ge [sflag:s3], $0x800  }
0x173: {  	[sflag:s3] =	ssyncset.done $0x0  }
0x174: {  	s25 =	rddreg [dreg:$0x15];
	[sflag:s3] =	ssyncadd.s32 $0xFFFFF800  }
0x175: {  	[spmem:s6], [sflag:s0] =	dma.local [hbm:s25], $0x800  }
0x176: {  	_ =	swait.ge [sflag:s24], $0x4000  }
0x177: {  	[sflag:s24] =	ssyncset.done $0x0  }
0x178: {  	s25 =	rddreg [dreg:$0x16];
	[sflag:s24] =	ssyncadd.s32 $0xFFFFC000  }
0x179: {  	[hbm4b:s25+s2] =	stream.linear.scatter [tilespmem:s2], [sflag:$0x5], $0x4000, $0x38;
	[tilespmem:$0x1C000] =	vst v63  }
0x17a: {  	_ =	swait.ge [sflag:s11], $0x4000  }
0x17b: {  	[sflag:s11] =	ssyncset.done $0x0  }
0x17c: {  	s24 =	rddreg [dreg:$0x17];
	[sflag:s11] =	ssyncadd.s32 $0xFFFFC000  }
0x17d: {  	[tilespmem:s21], [sflag:$0x2] =	stream.linear.gather [hbm4b:s24+s2], $0x4000, $0x38;
	[tilespmem:$0x1C000] =	vst v63  }
0x17e: {  	_ =	swait.ge [sflag:s9], $0x800  }
0x17f: {  	[sflag:s9] =	ssyncset.done $0x0  }
0x180: {  	s25 =	rddreg [dreg:$0x18];
	[sflag:s9] =	ssyncadd.s32 $0xFFFFF800  }
0x181: {  	[hbm:s25], [sflag:s28] =	dma.local [spmem:s6], $0x800  }
0x182: {  	_ =	swait.ge [sflag:s10], $0x800  }
0x183: {  	[sflag:s10] =	ssyncset.done $0x0  }
0x184: {  	s24 =	rddreg [dreg:$0x19];
	[sflag:s10] =	ssyncadd.s32 $0xFFFFF800  }
0x185: {  	[spmem:s20], [sflag:s30] =	dma.local [hbm:s24], $0x800  }
0x186: {  	_ =	swait.ge [sflag:s23], $0x4000  }
0x187: {  	[sflag:s23] =	ssyncset.done $0x0  }
0x188: {  	s25 =	rddreg [dreg:$0x1a];
	[sflag:s23] =	ssyncadd.s32 $0xFFFFC000  }
0x189: {  	[hbm4b:s25+s2] =	stream.linear.scatter [tilespmem:s21], [sflag:$0x6], $0x4000, $0x38;
	[tilespmem:$0x1C000] =	vst v63  }
0x18a: {  	_ =	swait.ge [sflag:s8], $0x4000  }
0x18b: {  	[sflag:s8] =	ssyncset.done $0x0  }
0x18c: {  	s30 =	rddreg [dreg:$0x1b];
	[sflag:s8] =	ssyncadd.s32 $0xFFFFC000  }
0x18d: {  	[tilespmem:s17], [sflag:$0x3] =	stream.linear.gather [hbm4b:s30+s2], $0x4000, $0x38;
	[tilespmem:$0x1C000] =	vst v63  }
0x18e: {  	_ =	swait.ge [sflag:s22], $0x800  }
0x18f: {  	[sflag:s22] =	ssyncset.done $0x0  }
0x190: {  	s21 =	rddreg [dreg:$0x1c];
	[sflag:s22] =	ssyncadd.s32 $0xFFFFF800  }
0x191: {  	[hbm:s21], [sflag:s29] =	dma.local [spmem:s20], $0x800  }
0x192: {  	_ =	swait.ge [sflag:s4], $0x800  }
0x193: {  	[sflag:s4] =	ssyncset.done $0x0  }
0x194: {  	s22 =	rddreg [dreg:$0x1d];
	[sflag:s4] =	ssyncadd.s32 $0xFFFFF800  }
0x195: {  	[spmem:s19], [sflag:s14] =	dma.local [hbm:s22], $0x800  }
0x196: {  	_ =	swait.ge [sflag:s18], $0x4000  }
0x197: {  	[sflag:s18] =	ssyncset.done $0x0  }
0x198: {  	s23 =	rddreg [dreg:$0x1e];
	[sflag:s18] =	ssyncadd.s32 $0xFFFFC000  }
0x199: {  	[hbm4b:s23+s2] =	stream.linear.scatter [tilespmem:s17], [sflag:$0x7], $0x4000, $0x38;
	[tilespmem:$0x1C000] =	vst v63  }
0x19a: {  	_ =	swait.ge [sflag:s7], $0x4000  }
0x19b: {  	[sflag:s7] =	ssyncset.done $0x0  }
0x19c: {  	s24 =	rddreg [dreg:$0x1f];
	[sflag:s7] =	ssyncadd.s32 $0xFFFFC000  }
0x19d: {  	[tilespmem:s13], [sflag:$0x4] =	stream.linear.gather [hbm4b:s24+s2], $0x4000, $0x38;
	[tilespmem:$0x1C000] =	vst v63  }
0x19e: {  	_ =	swait.ge [sflag:s15], $0x800  }
0x19f: {  	s25 =	sld [smem:$0x7FB]  }
0x1a0: {  	[sflag:s15] =	ssyncset.done $0x0  }
0x1a1: {  	[sflag:s15] =	ssyncadd.s32 $0xFFFFF800  }
0x1a2: {  	[hbm:s25], [sflag:s26] =	dma.local [spmem:s19], $0x800  }
0x1a3: {  	_ =	swait.ge [sflag:s3], $0x800  }
0x1a4: {  	s29 =	sld [smem:$0x7FC]  }
0x1a5: {  	[sflag:s3] =	ssyncset.done $0x0  }
0x1a6: {  	[sflag:s3] =	ssyncadd.s32 $0xFFFFF800  }
0x1a7: {  	[spmem:s6], [sflag:s0] =	dma.local [hbm:s29], $0x800  }
0x1a8: {  	_ =	swait.ge [sflag:s16], $0x4000  }
0x1a9: {  	s30 =	sld [smem:$0x7FD]  }
0x1aa: {  	[sflag:s16] =	ssyncset.done $0x0  }
0x1ab: {  	[sflag:s16] =	ssyncadd.s32 $0xFFFFC000  }
0x1ac: {  	[hbm4b:s30+s2] =	stream.linear.scatter [tilespmem:s13], [sflag:$0x8], $0x4000, $0x38;
	[tilespmem:$0x1C000] =	vst v63  }
0x1ad: {  	_ =	swait.ge [sflag:s9], $0x800  }
0x1ae: {  	[sflag:s9] =	ssyncset.done $0x0  }
0x1af: {  	[sflag:s9] =	ssyncadd.s32 $0xFFFFF800  }
0x1b0: {  	[hbm:s5], [sflag:s28] =	dma.local [spmem:s6], $0x800  }
0x1b1: {  	_ =	swait.ge [sflag:s12], $0x4000  }
0x1b2: {  	[sflag:s12] =	ssyncset.done $0x0  }
0x1b3: {  	[sflag:s12] =	ssyncadd.s32 $0xFFFFC000  }
0x1b4: {  	_ =	swait.ge [sflag:s11], $0x4000  }
0x1b5: {  	[sflag:s11] =	ssyncset.done $0x0  }
0x1b6: {  	[sflag:s11] =	ssyncadd.s32 $0xFFFFC000  }
0x1b7: {  	_ =	swait.ge [sflag:s10], $0x800  }
0x1b8: {  	[sflag:s10] =	ssyncset.done $0x0  }
0x1b9: {  	[sflag:s10] =	ssyncadd.s32 $0xFFFFF800  }
0x1ba: {  	_ =	swait.ge [sflag:s8], $0x4000  }
0x1bb: {  	[sflag:s8] =	ssyncset.done $0x0  }
0x1bc: {  	[sflag:s8] =	ssyncadd.s32 $0xFFFFC000  }
0x1bd: {  	_ =	swait.ge [sflag:s4], $0x800  }
0x1be: {  	[sflag:s4] =	ssyncset.done $0x0  }
0x1bf: {  	[sflag:s4] =	ssyncadd.s32 $0xFFFFF800  }
0x1c0: {  	_ =	swait.ge [sflag:s7], $0x4000  }
0x1c1: {  	[sflag:s7] =	ssyncset.done $0x0  }
0x1c2: {  	[sflag:s7] =	ssyncadd.s32 $0xFFFFC000  }
0x1c3: {  	_ =	swait.ge [sflag:s3], $0x800  }
0x1c4: {  	[sflag:s3] =	ssyncset.done $0x0  }
0x1c5: {  	[sflag:s3] =	ssyncadd.s32 $0xFFFFF800  }
0x1c6: {  	_ =	sfence.sel $0x180000  }
0x1c7: {  	[bflag:$0x0] =	sbarrier.arrive $0xFFFF  }
0x1c8: {  	_ =	strace $0x90000047  }
0x1c9: {  	[bflag:$0x2] =	sbarrier.arrive $0xFFFF  }
0x1ca: {  	p0 =	sne.s32 s31, $0x0;
	s0 =	rddreg [dreg:$0x3]  }
0x1cb: {  	s0 =	sadd.s32 @!p0 $0x100000, s0  }
0x1cc: {  	[sflag:s0] =	ssyncadd.tile.s32 @!p0 $0x1;
	_ =	shalt  }
.LBB2_2:
.Ltmp3:
0x1cd: {  	(pc) =	sbr.rel .LBB2_5-.Ltmp3, $2  }
0x1ce: {  	_ =	sdelay $0x2  }
0x1cf: {  	s31 =	stileid.u32;
	s25 =	sld [smem:$0x7FA]  }
.Lfunc_end2:
_tile_overlayer_lowered:
.L_overlay_start_2:
0x1d0: {  	(tag) =	ssettag $0x2  }
0x1d1: {  	s0 =	rddreg [dreg:$0x0];
	s2 =	stileid.u32  }
0x1d2: {  	s1 =	rddreg [dreg:$0x1];
	p0 =	sne.s32 s2, $0x0  }
0x1d3: {  	s3 =	rddreg [dreg:$0x2];
	[bflag:$0x3] =	sbarrier.arrive $0xFFFF;
	s2 =	simm.s32 @!p0 $0x1C0F  }
0x1d4: {  	[timem:s3], [sflag:s2] =	dma.local @!p0 [hbm:s0], s1  }
0x1d5: {  	s0 =	simm.s32 @!p0 $0xF  }
0x1d6: {  	_ =	swait.ge @!p0 [sflag:s0], s1  }
0x1d7: {  	s1 =	ssub.s32 @!p0 $0x0, s1;
	[sflag:s0] =	ssyncset.done @!p0 $0x0  }
0x1d8: {  	[sflag:s0] =	ssyncadd.s32 @!p0 s1  }
0x1d9: {  	[bflag:$0x3] =	sbarrier.arrive $0xFFFF  }
0x1da: {  	_ =	shalt  }

</sc_bundles>
